<compile_context>
chip_gen: v7x
topology: tpu7x:2x2x1
jax: 0.10.2.dev20260603
libtpu: 0.0.44.dev20260713+nightly
codegen_flags: <defaults>
</compile_context>

<pallas_src>
import functools

import jax
import jax.numpy as jnp
from jax import lax
from jax.experimental import pallas as pl
from jax.experimental.pallas import tpu as pltpu
from jax.experimental.pallas import tpu_sc as plsc

N = 10000
E = 320000
D = 128
H = 128
C = 64

NC = 2
NS = 16
NW = NC * NS
CH = 128
NCH = 79
EPW = NCH * CH
PAD = EPW * NW - E
NPAD = 112
NA = N + NPAD
RPS = NA // NS

_mesh = plsc.VectorSubcoreMesh(core_axis_name="c", subcore_axis_name="s")


def _make_edge_prop(F):

    NPH = 40

    @functools.partial(
        pl.kernel,
        out_type=jax.ShapeDtypeStruct((NC, NA, F), jnp.float32),
        mesh=_mesh,
        scratch_types=[
            pltpu.VMEM((NPH, CH), jnp.int32),
            pltpu.VMEM((NPH, CH), jnp.int32),
            pltpu.VMEM((CH, F), jnp.float32),
            pltpu.VMEM((CH, F), jnp.float32),
            pltpu.VMEM_SHARED((NA, F), jnp.float32),
            pltpu.SemaphoreType.DMA,
            pltpu.SemaphoreType.DMA,
        ],
    )
    def prop(y_hbm, src_hbm, dst_hbm, zero_hbm, out_hbm,
             src_v, dst_v, buf0, buf1, acc, sg0, sg1):
        c = lax.axis_index("c")
        s = lax.axis_index("s")
        w = s * NC + c
        r0 = s * RPS
        pltpu.sync_copy(zero_hbm.at[pl.ds(r0, RPS)], acc.at[pl.ds(r0, RPS)])

        def phase(base, cnt):
            pltpu.sync_copy(src_hbm.at[w].at[pl.ds(base, cnt)], src_v.at[pl.ds(0, cnt)])
            pltpu.sync_copy(dst_hbm.at[w].at[pl.ds(base, cnt)], dst_v.at[pl.ds(0, cnt)])
            if base == 0:
                plsc.subcore_barrier()
            pltpu.async_copy(y_hbm.at[src_v.at[0]], buf0, sg0)
            pairs = cnt // 2

            def body(jj, carry):
                j0 = jj * 2
                pltpu.async_copy(y_hbm.at[src_v.at[j0 + 1]], buf1, sg1)
                pltpu.make_async_copy(y_hbm.at[src_v.at[j0]], buf0, sg0).wait()
                pltpu.sync_copy(buf0, acc.at[dst_v.at[j0]], add=True)

                if cnt % 2:
                    pltpu.async_copy(y_hbm.at[src_v.at[j0 + 2]], buf0, sg0)
                else:
                    @pl.when(jj < pairs - 1)
                    def _():
                        pltpu.async_copy(y_hbm.at[src_v.at[j0 + 2]], buf0, sg0)

                pltpu.make_async_copy(y_hbm.at[src_v.at[j0 + 1]], buf1, sg1).wait()
                pltpu.sync_copy(buf1, acc.at[dst_v.at[j0 + 1]], add=True)
                return carry

            lax.fori_loop(0, pairs, body, 0)
            if cnt % 2:
                pltpu.make_async_copy(y_hbm.at[src_v.at[cnt - 1]], buf0, sg0).wait()
                pltpu.sync_copy(buf0, acc.at[dst_v.at[cnt - 1]], add=True)

        phase(0, NPH)
        phase(NPH, NCH - NPH)
        plsc.subcore_barrier()
        pltpu.sync_copy(acc.at[pl.ds(r0, RPS)], out_hbm.at[c].at[pl.ds(r0, RPS)])

    return prop


_prop_h = _make_edge_prop(H)


@functools.partial(
    pl.kernel,
    out_type=jax.ShapeDtypeStruct((NC, NA, H), jnp.float32),
    mesh=_mesh,
    scratch_types=[
        pltpu.VMEM((NCH, CH), jnp.int32),
        pltpu.VMEM((CH, H), jnp.float32),
        pltpu.VMEM_SHARED((NA, H), jnp.float32),
    ],
)
def _hist(dst_hbm, ones_hbm, zero_hbm, out_hbm, dst_v, ones_v, acc):
    c = lax.axis_index("c")
    s = lax.axis_index("s")
    w = s * NC + c
    pltpu.sync_copy(dst_hbm.at[w], dst_v)
    pltpu.sync_copy(ones_hbm, ones_v)
    r0 = s * RPS
    pltpu.sync_copy(zero_hbm.at[pl.ds(r0, RPS)], acc.at[pl.ds(r0, RPS)])
    plsc.subcore_barrier()

    def body(j, carry):
        pltpu.sync_copy(ones_v, acc.at[dst_v.at[j]], add=True)
        return carry

    lax.fori_loop(0, NCH, body, 0)
    plsc.subcore_barrier()
    pltpu.sync_copy(acc.at[pl.ds(r0, RPS)], out_hbm.at[c].at[pl.ds(r0, RPS)])


R = 1000


def _stage1_body(x_ref, w_ref, d0_ref, d1_ref, y_ref):
    deg = d0_ref[:, 0:1] + d1_ref[:, 0:1] + 1.0
    dinv = lax.rsqrt(deg)
    y_ref[...] = dinv * jnp.dot(x_ref[...], w_ref[...],
                                preferred_element_type=jnp.float32)


def _stage1(x, W1, deg0, deg1):
    return pl.pallas_call(
        _stage1_body,
        grid=(N // R,),
        in_specs=[
            pl.BlockSpec((R, D), lambda i: (i, 0)),
            pl.BlockSpec((D, H), lambda i: (0, 0)),
            pl.BlockSpec((R, 16), lambda i: (i, 0)),
            pl.BlockSpec((R, 16), lambda i: (i, 0)),
        ],
        out_specs=pl.BlockSpec((R, H), lambda i: (i, 0)),
        out_shape=jax.ShapeDtypeStruct((N, H), jnp.float32),
    )(x, W1, deg0, deg1)


def _stage2_body(p0_ref, p1_ref, y1_ref, d0_ref, d1_ref, b_ref, w_ref, o_ref):
    dinv = lax.rsqrt(d0_ref[:, 0:1] + d1_ref[:, 0:1] + 1.0)
    t = dinv * (p0_ref[...] + p1_ref[...] + y1_ref[...]) + b_ref[...]
    h = jnp.maximum(t, 0.0)
    y2 = dinv * jnp.dot(h, w_ref[...], preferred_element_type=jnp.float32)
    o_ref[...] = jnp.concatenate(
        [y2, jnp.zeros((y2.shape[0], H - C), jnp.float32)], axis=1)


def _stage2(p0, p1, y1, deg0, deg1, b1, W2):
    return pl.pallas_call(
        _stage2_body,
        grid=(N // R,),
        in_specs=[
            pl.BlockSpec((R, H), lambda i: (i, 0)),
            pl.BlockSpec((R, H), lambda i: (i, 0)),
            pl.BlockSpec((R, H), lambda i: (i, 0)),
            pl.BlockSpec((R, 16), lambda i: (i, 0)),
            pl.BlockSpec((R, 16), lambda i: (i, 0)),
            pl.BlockSpec((1, H), lambda i: (0, 0)),
            pl.BlockSpec((H, C), lambda i: (0, 0)),
        ],
        out_specs=pl.BlockSpec((R, H), lambda i: (i, 0)),
        out_shape=jax.ShapeDtypeStruct((N, H), jnp.float32),
    )(p0, p1, y1, deg0, deg1, b1, W2)


def _stage3_body(q0_ref, q1_ref, y2_ref, d0_ref, d1_ref, b_ref, o_ref):
    dinv = lax.rsqrt(d0_ref[:, 0:1] + d1_ref[:, 0:1] + 1.0)
    o = dinv * (q0_ref[:, :C] + q1_ref[:, :C] + y2_ref[:, :C]) + b_ref[...]
    m = jnp.max(o, axis=1, keepdims=True)
    lse = jnp.log(jnp.sum(jnp.exp(o - m), axis=1, keepdims=True)) + m
    o_ref[...] = o - lse


def _stage3(q0, q1, y2, deg0, deg1, b2):
    return pl.pallas_call(
        _stage3_body,
        grid=(N // R,),
        in_specs=[
            pl.BlockSpec((R, H), lambda i: (i, 0)),
            pl.BlockSpec((R, H), lambda i: (i, 0)),
            pl.BlockSpec((R, H), lambda i: (i, 0)),
            pl.BlockSpec((R, 16), lambda i: (i, 0)),
            pl.BlockSpec((R, 16), lambda i: (i, 0)),
            pl.BlockSpec((1, C), lambda i: (0, 0)),
        ],
        out_specs=pl.BlockSpec((R, C), lambda i: (i, 0)),
        out_shape=jax.ShapeDtypeStruct((N, C), jnp.float32),
    )(q0, q1, y2, deg0, deg1, b2)


def kernel(x, edge_attr, W1, b1, W2, b2, edge_index):
    src = edge_index[0]
    dst = edge_index[1]
    src_p = jnp.concatenate(
        [src, jnp.zeros((PAD,), jnp.int32)]).reshape(NW, NCH, CH)
    dst_p = jnp.concatenate(
        [dst, N + (jnp.arange(PAD, dtype=jnp.int32) % NPAD)]).reshape(NW, NCH, CH)

    onesh = jnp.ones((CH, H), jnp.float32)
    zh = jnp.zeros((NA, H), jnp.float32)

    degp = _hist(dst_p, onesh, zh)
    deg0 = degp[0, :N, 0:16]
    deg1 = degp[1, :N, 0:16]

    y1 = _stage1(x, W1, deg0, deg1)
    p = _prop_h(y1, src_p, dst_p, zh)
    y2 = _stage2(p[0, :N], p[1, :N], y1, deg0, deg1,
                 b1.reshape(1, H), W2)
    q = _prop_h(y2, src_p, dst_p, zh)
    return _stage3(q[0, :N], q[1, :N], y2, deg0, deg1, b2.reshape(1, C))

# --- scband reference (transcript-rebuilt; emitter-appended) ---
"""Pipeline reference for scband-gcn-52776558133398 (READ-ONLY COPY).

The authoritative reference and input builder live on the scoring server;
editing this copy changes nothing except your own understanding.
"""

import jax, jax.numpy as jnp
import numpy as np

N = 10000
E = 320000
D = 128
H = 128
C = 64


def setup_inputs(seed: int = 0) -> dict:
    key = jax.random.key(seed)
    k1, k2, k3, k4, k5, k6 = jax.random.split(key, 6)
    x = jax.random.normal(k1, (N, D), dtype=jnp.float32)
    edge_index = jax.random.randint(k2, (2, E), 0, N, dtype=jnp.int32)
    edge_attr = jax.random.uniform(k3, (E,), dtype=jnp.float32)
    # GCNConv layer 1 params (glorot-ish init)
    W1 = jax.random.normal(k4, (D, H), dtype=jnp.float32) * (1.0 / np.sqrt(D))
    b1 = jnp.zeros((H,), dtype=jnp.float32)
    # GCNConv layer 2 params
    W2 = jax.random.normal(k5, (H, C), dtype=jnp.float32) * (1.0 / np.sqrt(H))
    b2 = jnp.zeros((C,), dtype=jnp.float32)
    return {"x": x, "edge_attr": edge_attr, "W1": W1, "b1": b1, "W2": W2, "b2": b2, "edge_index": edge_index}


def gcn_conv(x, src, dst, W, b):
    """GCNConv with added self-loops and symmetric deg^-1/2 normalization (edge_weight=1)."""
    n = x.shape[0]
    loop = jnp.arange(n, dtype=src.dtype)
    src2 = jnp.concatenate([src, loop])
    dst2 = jnp.concatenate([dst, loop])
    ew = jnp.ones((src2.shape[0],), dtype=x.dtype)
    deg = jnp.zeros((n,), dtype=x.dtype).at[dst2].add(ew)
    dinv = jnp.where(deg > 0, 1.0 / jnp.sqrt(deg), 0.0)
    norm = dinv[src2] * dinv[dst2]
    h = x @ W
    msg = h[src2] * norm[:, None]
    out = jnp.zeros((n, W.shape[1]), dtype=x.dtype).at[dst2].add(msg)
    return out + b


def reference(x, edge_attr, W1, b1, W2, b2, edge_index):
    # use_edge_weight=False -> edge_attr ignored; GCNConv computes its own normalization
    src = edge_index[0]
    dst = edge_index[1]
    h = gcn_conv(x, src, dst, W1, b1)
    h = jax.nn.relu(h)
    # F.dropout(p=0.6, training=False) -> identity in eval mode
    out = gcn_conv(h, src, dst, W2, b2)
    return jax.nn.log_softmax(out, axis=1)

if __name__ == "__main__":
    import jax
    _d = setup_inputs()
    print(jax.jit(kernel)(*tuple(_d.values())))

</pallas_src>

<mosaic_0001>
#map = affine_map<(d0, d1) -> (0, 0)>
#map1 = affine_map<(d0, d1) -> (0, 0, 0)>
module attributes {stable_mosaic.version = 14 : i64} {
  func.func @prop(%arg0: i32, %arg1: i32, %arg2: memref<10000x128xf32, #tpu.memory_space<hbm>>, %arg3: memref<32x79x128xi32, #tpu.memory_space<hbm>>, %arg4: memref<32x79x128xi32, #tpu.memory_space<hbm>>, %arg5: memref<10112x128xf32, #tpu.memory_space<hbm>>, %arg6: memref<2x10112x128xf32, #tpu.memory_space<hbm>>, %arg7: memref<40x128xi32, #tpu.memory_space<vmem>>, %arg8: memref<40x128xi32, #tpu.memory_space<vmem>>, %arg9: memref<128x128xf32, #tpu.memory_space<vmem>>, %arg10: memref<128x128xf32, #tpu.memory_space<vmem>>, %arg11: memref<10112x128xf32, #tpu.memory_space<vmem_shared>>, %arg12: memref<!tpu.dma_semaphore, #tpu.memory_space<semaphore_mem>>, %arg13: memref<!tpu.dma_semaphore, #tpu.memory_space<semaphore_mem>>) attributes {dimension_semantics = [#tpu.dimension_semantics<core_parallel>, #tpu.dimension_semantics<subcore_parallel>], iteration_bounds = array<i64: 2, 16>, scalar_prefetch = 0 : i64, scratch_operands = 7 : i64, tpu.core_type = #tpu.core_type<sc_vector_subcore>, window_params = [{transform_indices = #map}, {transform_indices = #map1}, {transform_indices = #map1}, {transform_indices = #map}, {transform_indices = #map1}]} {
    %mul3A = arith.constant 2 : i32
    %mul3A_0 = arith.muli %arg1, %mul3A : i32
    %add3A = arith.addi %mul3A_0, %arg0 : i32
    %mul3A_1 = arith.constant 632 : i32
    %mul3A_2 = arith.muli %arg1, %mul3A_1 : i32
    "tpu.region"() ({
      %run_scoped3A_34 = tpu.sem_alloc : memref<!tpu.dma_semaphore, #tpu.memory_space<semaphore_mem>>
      %dma_start3A_35 = arith.constant 0 : i32
      %dma_start3A_36 = tpu.memref_slice %arg11[%mul3A_2, %dma_start3A_35] : memref<10112x128xf32, #tpu.memory_space<vmem_shared>> -> memref<632x128xf32, #tpu.memory_space<vmem_shared>>
      %dma_start3A_37 = arith.constant 0 : i32
      %dma_start3A_38 = tpu.memref_slice %arg5[%mul3A_2, %dma_start3A_37] : memref<10112x128xf32, #tpu.memory_space<hbm>> -> memref<632x128xf32, #tpu.memory_space<hbm>>
      tpu.enqueue_dma source(%dma_start3A_38 : memref<632x128xf32, #tpu.memory_space<hbm>>) target(%dma_start3A_36 : memref<632x128xf32, #tpu.memory_space<vmem_shared>>) target_semaphore(%run_scoped3A_34 : memref<!tpu.dma_semaphore, #tpu.memory_space<semaphore_mem>>)
      %dma_wait3A_39 = arith.constant 0 : i32
      %dma_wait3A_40 = tpu.memref_slice %arg11[%mul3A_2, %dma_wait3A_39] : memref<10112x128xf32, #tpu.memory_space<vmem_shared>> -> memref<632x128xf32, #tpu.memory_space<vmem_shared>>
      %dma_wait3A_41 = arith.constant 0 : i32
      %dma_wait3A_42 = tpu.memref_slice %arg5[%mul3A_2, %dma_wait3A_41] : memref<10112x128xf32, #tpu.memory_space<hbm>> -> memref<632x128xf32, #tpu.memory_space<hbm>>
      tpu.wait_dma2 semaphore(%run_scoped3A_34 : memref<!tpu.dma_semaphore, #tpu.memory_space<semaphore_mem>>) src(%dma_wait3A_42 : memref<632x128xf32, #tpu.memory_space<hbm>>) dst(%dma_wait3A_40 : memref<632x128xf32, #tpu.memory_space<vmem_shared>>)
      tpu.yield
    }) : () -> ()
    "tpu.region"() ({
      %run_scoped3A_34 = tpu.sem_alloc : memref<!tpu.dma_semaphore, #tpu.memory_space<semaphore_mem>>
      %dma_start3A_35 = arith.constant 0 : i32
      %dma_start3A_36 = arith.constant 0 : i32
      %dma_start3A_37 = tpu.memref_slice %arg7[%dma_start3A_35, %dma_start3A_36] : memref<40x128xi32, #tpu.memory_space<vmem>> -> memref<40x128xi32, #tpu.memory_space<vmem>>
      %dma_start3A_38 = arith.constant 0 : i32
      %dma_start3A_39 = arith.constant 0 : i32
      %dma_start3A_40 = tpu.memref_slice %arg3[%add3A, %dma_start3A_38, %dma_start3A_39] : memref<32x79x128xi32, #tpu.memory_space<hbm>> -> memref<1x79x128xi32, #tpu.memory_space<hbm>>
      %dma_start3A_41 = tpu.memref_squeeze %dma_start3A_40 : memref<1x79x128xi32, #tpu.memory_space<hbm>> -> memref<79x128xi32, #tpu.memory_space<hbm>>
      %dma_start3A_42 = arith.constant 0 : i32
      %dma_start3A_43 = arith.constant 0 : i32
      %dma_start3A_44 = tpu.memref_slice %dma_start3A_41[%dma_start3A_42, %dma_start3A_43] : memref<79x128xi32, #tpu.memory_space<hbm>> -> memref<40x128xi32, #tpu.memory_space<hbm>>
      %dma_start3A_45 = arith.constant 0 : i32
      %dma_start3A_46 = arith.constant 0 : i32
      %dma_start3A_47 = tpu.memref_slice %arg7[%dma_start3A_45, %dma_start3A_46] : memref<40x128xi32, #tpu.memory_space<vmem>> -> memref<40x128xi32, #tpu.memory_space<vmem>>
      %dma_start3A_48 = arith.constant 0 : i32
      %dma_start3A_49 = arith.constant 0 : i32
      %dma_start3A_50 = tpu.memref_slice %arg3[%add3A, %dma_start3A_48, %dma_start3A_49] : memref<32x79x128xi32, #tpu.memory_space<hbm>> -> memref<1x79x128xi32, #tpu.memory_space<hbm>>
      %dma_start3A_51 = tpu.memref_squeeze %dma_start3A_50 : memref<1x79x128xi32, #tpu.memory_space<hbm>> -> memref<79x128xi32, #tpu.memory_space<hbm>>
      %dma_start3A_52 = arith.constant 0 : i32
      %dma_start3A_53 = arith.constant 0 : i32
      %dma_start3A_54 = tpu.memref_slice %dma_start3A_51[%dma_start3A_52, %dma_start3A_53] : memref<79x128xi32, #tpu.memory_space<hbm>> -> memref<40x128xi32, #tpu.memory_space<hbm>>
      tpu.enqueue_dma source(%dma_start3A_54 : memref<40x128xi32, #tpu.memory_space<hbm>>) target(%dma_start3A_47 : memref<40x128xi32, #tpu.memory_space<vmem>>) target_semaphore(%run_scoped3A_34 : memref<!tpu.dma_semaphore, #tpu.memory_space<semaphore_mem>>)
      %dma_wait3A_55 = arith.constant 0 : i32
      %dma_wait3A_56 = arith.constant 0 : i32
      %dma_wait3A_57 = tpu.memref_slice %arg7[%dma_wait3A_55, %dma_wait3A_56] : memref<40x128xi32, #tpu.memory_space<vmem>> -> memref<40x128xi32, #tpu.memory_space<vmem>>
      %dma_wait3A_58 = arith.constant 0 : i32
      %dma_wait3A_59 = arith.constant 0 : i32
      %dma_wait3A_60 = tpu.memref_slice %arg3[%add3A, %dma_wait3A_58, %dma_wait3A_59] : memref<32x79x128xi32, #tpu.memory_space<hbm>> -> memref<1x79x128xi32, #tpu.memory_space<hbm>>
      %dma_wait3A_61 = tpu.memref_squeeze %dma_wait3A_60 : memref<1x79x128xi32, #tpu.memory_space<hbm>> -> memref<79x128xi32, #tpu.memory_space<hbm>>
      %dma_wait3A_62 = arith.constant 0 : i32
      %dma_wait3A_63 = arith.constant 0 : i32
      %dma_wait3A_64 = tpu.memref_slice %dma_wait3A_61[%dma_wait3A_62, %dma_wait3A_63] : memref<79x128xi32, #tpu.memory_space<hbm>> -> memref<40x128xi32, #tpu.memory_space<hbm>>
      %dma_wait3A_65 = arith.constant 0 : i32
      %dma_wait3A_66 = arith.constant 0 : i32
      %dma_wait3A_67 = tpu.memref_slice %arg7[%dma_wait3A_65, %dma_wait3A_66] : memref<40x128xi32, #tpu.memory_space<vmem>> -> memref<40x128xi32, #tpu.memory_space<vmem>>
      %dma_wait3A_68 = arith.constant 0 : i32
      %dma_wait3A_69 = arith.constant 0 : i32
      %dma_wait3A_70 = tpu.memref_slice %arg3[%add3A, %dma_wait3A_68, %dma_wait3A_69] : memref<32x79x128xi32, #tpu.memory_space<hbm>> -> memref<1x79x128xi32, #tpu.memory_space<hbm>>
      %dma_wait3A_71 = tpu.memref_squeeze %dma_wait3A_70 : memref<1x79x128xi32, #tpu.memory_space<hbm>> -> memref<79x128xi32, #tpu.memory_space<hbm>>
      %dma_wait3A_72 = arith.constant 0 : i32
      %dma_wait3A_73 = arith.constant 0 : i32
      %dma_wait3A_74 = tpu.memref_slice %dma_wait3A_71[%dma_wait3A_72, %dma_wait3A_73] : memref<79x128xi32, #tpu.memory_space<hbm>> -> memref<40x128xi32, #tpu.memory_space<hbm>>
      tpu.wait_dma2 semaphore(%run_scoped3A_34 : memref<!tpu.dma_semaphore, #tpu.memory_space<semaphore_mem>>) src(%dma_wait3A_74 : memref<40x128xi32, #tpu.memory_space<hbm>>) dst(%dma_wait3A_67 : memref<40x128xi32, #tpu.memory_space<vmem>>)
      tpu.yield
    }) : () -> ()
    "tpu.region"() ({
      %run_scoped3A_34 = tpu.sem_alloc : memref<!tpu.dma_semaphore, #tpu.memory_space<semaphore_mem>>
      %dma_start3A_35 = arith.constant 0 : i32
      %dma_start3A_36 = arith.constant 0 : i32
      %dma_start3A_37 = tpu.memref_slice %arg8[%dma_start3A_35, %dma_start3A_36] : memref<40x128xi32, #tpu.memory_space<vmem>> -> memref<40x128xi32, #tpu.memory_space<vmem>>
      %dma_start3A_38 = arith.constant 0 : i32
      %dma_start3A_39 = arith.constant 0 : i32
      %dma_start3A_40 = tpu.memref_slice %arg4[%add3A, %dma_start3A_38, %dma_start3A_39] : memref<32x79x128xi32, #tpu.memory_space<hbm>> -> memref<1x79x128xi32, #tpu.memory_space<hbm>>
      %dma_start3A_41 = tpu.memref_squeeze %dma_start3A_40 : memref<1x79x128xi32, #tpu.memory_space<hbm>> -> memref<79x128xi32, #tpu.memory_space<hbm>>
      %dma_start3A_42 = arith.constant 0 : i32
      %dma_start3A_43 = arith.constant 0 : i32
      %dma_start3A_44 = tpu.memref_slice %dma_start3A_41[%dma_start3A_42, %dma_start3A_43] : memref<79x128xi32, #tpu.memory_space<hbm>> -> memref<40x128xi32, #tpu.memory_space<hbm>>
      %dma_start3A_45 = arith.constant 0 : i32
      %dma_start3A_46 = arith.constant 0 : i32
      %dma_start3A_47 = tpu.memref_slice %arg8[%dma_start3A_45, %dma_start3A_46] : memref<40x128xi32, #tpu.memory_space<vmem>> -> memref<40x128xi32, #tpu.memory_space<vmem>>
      %dma_start3A_48 = arith.constant 0 : i32
      %dma_start3A_49 = arith.constant 0 : i32
      %dma_start3A_50 = tpu.memref_slice %arg4[%add3A, %dma_start3A_48, %dma_start3A_49] : memref<32x79x128xi32, #tpu.memory_space<hbm>> -> memref<1x79x128xi32, #tpu.memory_space<hbm>>
      %dma_start3A_51 = tpu.memref_squeeze %dma_start3A_50 : memref<1x79x128xi32, #tpu.memory_space<hbm>> -> memref<79x128xi32, #tpu.memory_space<hbm>>
      %dma_start3A_52 = arith.constant 0 : i32
      %dma_start3A_53 = arith.constant 0 : i32
      %dma_start3A_54 = tpu.memref_slice %dma_start3A_51[%dma_start3A_52, %dma_start3A_53] : memref<79x128xi32, #tpu.memory_space<hbm>> -> memref<40x128xi32, #tpu.memory_space<hbm>>
      tpu.enqueue_dma source(%dma_start3A_54 : memref<40x128xi32, #tpu.memory_space<hbm>>) target(%dma_start3A_47 : memref<40x128xi32, #tpu.memory_space<vmem>>) target_semaphore(%run_scoped3A_34 : memref<!tpu.dma_semaphore, #tpu.memory_space<semaphore_mem>>)
      %dma_wait3A_55 = arith.constant 0 : i32
      %dma_wait3A_56 = arith.constant 0 : i32
      %dma_wait3A_57 = tpu.memref_slice %arg8[%dma_wait3A_55, %dma_wait3A_56] : memref<40x128xi32, #tpu.memory_space<vmem>> -> memref<40x128xi32, #tpu.memory_space<vmem>>
      %dma_wait3A_58 = arith.constant 0 : i32
      %dma_wait3A_59 = arith.constant 0 : i32
      %dma_wait3A_60 = tpu.memref_slice %arg4[%add3A, %dma_wait3A_58, %dma_wait3A_59] : memref<32x79x128xi32, #tpu.memory_space<hbm>> -> memref<1x79x128xi32, #tpu.memory_space<hbm>>
      %dma_wait3A_61 = tpu.memref_squeeze %dma_wait3A_60 : memref<1x79x128xi32, #tpu.memory_space<hbm>> -> memref<79x128xi32, #tpu.memory_space<hbm>>
      %dma_wait3A_62 = arith.constant 0 : i32
      %dma_wait3A_63 = arith.constant 0 : i32
      %dma_wait3A_64 = tpu.memref_slice %dma_wait3A_61[%dma_wait3A_62, %dma_wait3A_63] : memref<79x128xi32, #tpu.memory_space<hbm>> -> memref<40x128xi32, #tpu.memory_space<hbm>>
      %dma_wait3A_65 = arith.constant 0 : i32
      %dma_wait3A_66 = arith.constant 0 : i32
      %dma_wait3A_67 = tpu.memref_slice %arg8[%dma_wait3A_65, %dma_wait3A_66] : memref<40x128xi32, #tpu.memory_space<vmem>> -> memref<40x128xi32, #tpu.memory_space<vmem>>
      %dma_wait3A_68 = arith.constant 0 : i32
      %dma_wait3A_69 = arith.constant 0 : i32
      %dma_wait3A_70 = tpu.memref_slice %arg4[%add3A, %dma_wait3A_68, %dma_wait3A_69] : memref<32x79x128xi32, #tpu.memory_space<hbm>> -> memref<1x79x128xi32, #tpu.memory_space<hbm>>
      %dma_wait3A_71 = tpu.memref_squeeze %dma_wait3A_70 : memref<1x79x128xi32, #tpu.memory_space<hbm>> -> memref<79x128xi32, #tpu.memory_space<hbm>>
      %dma_wait3A_72 = arith.constant 0 : i32
      %dma_wait3A_73 = arith.constant 0 : i32
      %dma_wait3A_74 = tpu.memref_slice %dma_wait3A_71[%dma_wait3A_72, %dma_wait3A_73] : memref<79x128xi32, #tpu.memory_space<hbm>> -> memref<40x128xi32, #tpu.memory_space<hbm>>
      tpu.wait_dma2 semaphore(%run_scoped3A_34 : memref<!tpu.dma_semaphore, #tpu.memory_space<semaphore_mem>>) src(%dma_wait3A_74 : memref<40x128xi32, #tpu.memory_space<hbm>>) dst(%dma_wait3A_67 : memref<40x128xi32, #tpu.memory_space<vmem>>)
      tpu.yield
    }) : () -> ()
    %barrier3A = arith.constant 0 : index
    tpu.barrier barrier_id(%barrier3A)
    %dma_start3A = arith.constant 0 : i32
    %dma_start3A_3 = arith.constant 0 : i32
    %dma_start3A_4 = tpu.memref_slice %arg7[%dma_start3A, %dma_start3A_3] : memref<40x128xi32, #tpu.memory_space<vmem>> -> memref<1x128xi32, #tpu.memory_space<vmem>>
    %dma_start3A_5 = tpu.memref_squeeze %dma_start3A_4 : memref<1x128xi32, #tpu.memory_space<vmem>> -> memref<128xi32, #tpu.memory_space<vmem>>
    %dma_start3A_6 = arith.constant 0 : i32
    %dma_start3A_7 = arith.constant 0 : i32
    %dma_start3A_8 = tpu.memref_slice %arg2[%dma_start3A_6, %dma_start3A_7] : memref<10000x128xf32, #tpu.memory_space<hbm>> -> memref<10000x128xf32, #tpu.memory_space<hbm>>
    tpu.enqueue_indirect_dma source(%dma_start3A_8 : memref<10000x128xf32, #tpu.memory_space<hbm>>) target(%arg9 : memref<128x128xf32, #tpu.memory_space<vmem>>) offsets(%dma_start3A_5 : memref<128xi32, #tpu.memory_space<vmem>>) semaphore(%arg12 : memref<!tpu.dma_semaphore, #tpu.memory_space<semaphore_mem>>)
    %scan3A = arith.constant 0 : i32
    %scan3A_9 = arith.constant 0 : i32
    %scan3A_10 = arith.constant 20 : i32
    %scan3A_11 = arith.addi %scan3A_9, %scan3A_10 : i32
    %scan3A_12 = arith.constant 1 : i32
    scf.for %scan3A_34 = %scan3A_9 to %scan3A_11 step %scan3A_12  : i32 {
      %mul3A_35 = arith.constant 2 : i32
      %mul3A_36 = arith.muli %scan3A_34, %mul3A_35 : i32
      %add3A_37 = arith.constant 1 : i32
      %add3A_38 = arith.addi %mul3A_36, %add3A_37 : i32
      %dma_start3A_39 = arith.constant 0 : i32
      %dma_start3A_40 = tpu.memref_slice %arg7[%add3A_38, %dma_start3A_39] : memref<40x128xi32, #tpu.memory_space<vmem>> -> memref<1x128xi32, #tpu.memory_space<vmem>>
      %dma_start3A_41 = tpu.memref_squeeze %dma_start3A_40 : memref<1x128xi32, #tpu.memory_space<vmem>> -> memref<128xi32, #tpu.memory_space<vmem>>
      %dma_start3A_42 = arith.constant 0 : i32
      %dma_start3A_43 = arith.constant 0 : i32
      %dma_start3A_44 = tpu.memref_slice %arg2[%dma_start3A_42, %dma_start3A_43] : memref<10000x128xf32, #tpu.memory_space<hbm>> -> memref<10000x128xf32, #tpu.memory_space<hbm>>
      tpu.enqueue_indirect_dma source(%dma_start3A_44 : memref<10000x128xf32, #tpu.memory_space<hbm>>) target(%arg10 : memref<128x128xf32, #tpu.memory_space<vmem>>) offsets(%dma_start3A_41 : memref<128xi32, #tpu.memory_space<vmem>>) semaphore(%arg13 : memref<!tpu.dma_semaphore, #tpu.memory_space<semaphore_mem>>)
      %dma_wait3A_45 = arith.constant 0 : i32
      %dma_wait3A_46 = tpu.memref_slice %arg7[%mul3A_36, %dma_wait3A_45] : memref<40x128xi32, #tpu.memory_space<vmem>> -> memref<1x128xi32, #tpu.memory_space<vmem>>
      %dma_wait3A_47 = tpu.memref_squeeze %dma_wait3A_46 : memref<1x128xi32, #tpu.memory_space<vmem>> -> memref<128xi32, #tpu.memory_space<vmem>>
      %dma_wait3A_48 = arith.constant 0 : i32
      %dma_wait3A_49 = arith.constant 0 : i32
      %dma_wait3A_50 = tpu.memref_slice %arg2[%dma_wait3A_48, %dma_wait3A_49] : memref<10000x128xf32, #tpu.memory_space<hbm>> -> memref<10000x128xf32, #tpu.memory_space<hbm>>
      tpu.wait_indirect_dma semaphore(%arg12 : memref<!tpu.dma_semaphore, #tpu.memory_space<semaphore_mem>>) src(%dma_wait3A_50 : memref<10000x128xf32, #tpu.memory_space<hbm>>) dst(%arg9 : memref<128x128xf32, #tpu.memory_space<vmem>>)
      "tpu.region"() ({
        %run_scoped3A_63 = tpu.sem_alloc : memref<!tpu.dma_semaphore, #tpu.memory_space<semaphore_mem>>
        %dma_start3A_64 = arith.constant 0 : i32
        %dma_start3A_65 = tpu.memref_slice %arg8[%mul3A_36, %dma_start3A_64] : memref<40x128xi32, #tpu.memory_space<vmem>> -> memref<1x128xi32, #tpu.memory_space<vmem>>
        %dma_start3A_66 = tpu.memref_squeeze %dma_start3A_65 : memref<1x128xi32, #tpu.memory_space<vmem>> -> memref<128xi32, #tpu.memory_space<vmem>>
        %dma_start3A_67 = arith.constant 0 : i32
        %dma_start3A_68 = arith.constant 0 : i32
        %dma_start3A_69 = tpu.memref_slice %arg11[%dma_start3A_67, %dma_start3A_68] : memref<10112x128xf32, #tpu.memory_space<vmem_shared>> -> memref<10112x128xf32, #tpu.memory_space<vmem_shared>>
        tpu.enqueue_indirect_dma source(%arg9 : memref<128x128xf32, #tpu.memory_space<vmem>>) target(%dma_start3A_69 : memref<10112x128xf32, #tpu.memory_space<vmem_shared>>) offsets(%dma_start3A_66 : memref<128xi32, #tpu.memory_space<vmem>>) semaphore(%run_scoped3A_63 : memref<!tpu.dma_semaphore, #tpu.memory_space<semaphore_mem>>) {add = true}
        %dma_wait3A_70 = arith.constant 0 : i32
        %dma_wait3A_71 = tpu.memref_slice %arg8[%mul3A_36, %dma_wait3A_70] : memref<40x128xi32, #tpu.memory_space<vmem>> -> memref<1x128xi32, #tpu.memory_space<vmem>>
        %dma_wait3A_72 = tpu.memref_squeeze %dma_wait3A_71 : memref<1x128xi32, #tpu.memory_space<vmem>> -> memref<128xi32, #tpu.memory_space<vmem>>
        %dma_wait3A_73 = arith.constant 0 : i32
        %dma_wait3A_74 = arith.constant 0 : i32
        %dma_wait3A_75 = tpu.memref_slice %arg11[%dma_wait3A_73, %dma_wait3A_74] : memref<10112x128xf32, #tpu.memory_space<vmem_shared>> -> memref<10112x128xf32, #tpu.memory_space<vmem_shared>>
        tpu.wait_indirect_dma semaphore(%run_scoped3A_63 : memref<!tpu.dma_semaphore, #tpu.memory_space<semaphore_mem>>) src(%arg9 : memref<128x128xf32, #tpu.memory_space<vmem>>) dst(%dma_wait3A_75 : memref<10112x128xf32, #tpu.memory_space<vmem_shared>>)
        tpu.yield
      }) : () -> ()
      %lt3A = arith.constant 19 : i32
      %lt3A_51 = arith.cmpi slt, %scan3A_34, %lt3A : i32
      %convert_element_type3A = arith.extui %lt3A_51 : i1 to i32
      %cond3A = arith.constant 0 : i32
      %cond3A_52 = arith.cmpi ne, %convert_element_type3A, %cond3A : i32
      scf.if %cond3A_52 {
        %add3A_63 = arith.constant 2 : i32
        %add3A_64 = arith.addi %mul3A_36, %add3A_63 : i32
        %dma_start3A_65 = arith.constant 0 : i32
        %dma_start3A_66 = tpu.memref_slice %arg7[%add3A_64, %dma_start3A_65] : memref<40x128xi32, #tpu.memory_space<vmem>> -> memref<1x128xi32, #tpu.memory_space<vmem>>
        %dma_start3A_67 = tpu.memref_squeeze %dma_start3A_66 : memref<1x128xi32, #tpu.memory_space<vmem>> -> memref<128xi32, #tpu.memory_space<vmem>>
        %dma_start3A_68 = arith.constant 0 : i32
        %dma_start3A_69 = arith.constant 0 : i32
        %dma_start3A_70 = tpu.memref_slice %arg2[%dma_start3A_68, %dma_start3A_69] : memref<10000x128xf32, #tpu.memory_space<hbm>> -> memref<10000x128xf32, #tpu.memory_space<hbm>>
        tpu.enqueue_indirect_dma source(%dma_start3A_70 : memref<10000x128xf32, #tpu.memory_space<hbm>>) target(%arg9 : memref<128x128xf32, #tpu.memory_space<vmem>>) offsets(%dma_start3A_67 : memref<128xi32, #tpu.memory_space<vmem>>) semaphore(%arg12 : memref<!tpu.dma_semaphore, #tpu.memory_space<semaphore_mem>>)
      } else {
      }
      %add3A_53 = arith.constant 1 : i32
      %add3A_54 = arith.addi %mul3A_36, %add3A_53 : i32
      %dma_wait3A_55 = arith.constant 0 : i32
      %dma_wait3A_56 = tpu.memref_slice %arg7[%add3A_54, %dma_wait3A_55] : memref<40x128xi32, #tpu.memory_space<vmem>> -> memref<1x128xi32, #tpu.memory_space<vmem>>
      %dma_wait3A_57 = tpu.memref_squeeze %dma_wait3A_56 : memref<1x128xi32, #tpu.memory_space<vmem>> -> memref<128xi32, #tpu.memory_space<vmem>>
      %dma_wait3A_58 = arith.constant 0 : i32
      %dma_wait3A_59 = arith.constant 0 : i32
      %dma_wait3A_60 = tpu.memref_slice %arg2[%dma_wait3A_58, %dma_wait3A_59] : memref<10000x128xf32, #tpu.memory_space<hbm>> -> memref<10000x128xf32, #tpu.memory_space<hbm>>
      tpu.wait_indirect_dma semaphore(%arg13 : memref<!tpu.dma_semaphore, #tpu.memory_space<semaphore_mem>>) src(%dma_wait3A_60 : memref<10000x128xf32, #tpu.memory_space<hbm>>) dst(%arg10 : memref<128x128xf32, #tpu.memory_space<vmem>>)
      %add3A_61 = arith.constant 1 : i32
      %add3A_62 = arith.addi %mul3A_36, %add3A_61 : i32
      "tpu.region"() ({
        %run_scoped3A_63 = tpu.sem_alloc : memref<!tpu.dma_semaphore, #tpu.memory_space<semaphore_mem>>
        %dma_start3A_64 = arith.constant 0 : i32
        %dma_start3A_65 = tpu.memref_slice %arg8[%add3A_62, %dma_start3A_64] : memref<40x128xi32, #tpu.memory_space<vmem>> -> memref<1x128xi32, #tpu.memory_space<vmem>>
        %dma_start3A_66 = tpu.memref_squeeze %dma_start3A_65 : memref<1x128xi32, #tpu.memory_space<vmem>> -> memref<128xi32, #tpu.memory_space<vmem>>
        %dma_start3A_67 = arith.constant 0 : i32
        %dma_start3A_68 = arith.constant 0 : i32
        %dma_start3A_69 = tpu.memref_slice %arg11[%dma_start3A_67, %dma_start3A_68] : memref<10112x128xf32, #tpu.memory_space<vmem_shared>> -> memref<10112x128xf32, #tpu.memory_space<vmem_shared>>
        tpu.enqueue_indirect_dma source(%arg10 : memref<128x128xf32, #tpu.memory_space<vmem>>) target(%dma_start3A_69 : memref<10112x128xf32, #tpu.memory_space<vmem_shared>>) offsets(%dma_start3A_66 : memref<128xi32, #tpu.memory_space<vmem>>) semaphore(%run_scoped3A_63 : memref<!tpu.dma_semaphore, #tpu.memory_space<semaphore_mem>>) {add = true}
        %dma_wait3A_70 = arith.constant 0 : i32
        %dma_wait3A_71 = tpu.memref_slice %arg8[%add3A_62, %dma_wait3A_70] : memref<40x128xi32, #tpu.memory_space<vmem>> -> memref<1x128xi32, #tpu.memory_space<vmem>>
        %dma_wait3A_72 = tpu.memref_squeeze %dma_wait3A_71 : memref<1x128xi32, #tpu.memory_space<vmem>> -> memref<128xi32, #tpu.memory_space<vmem>>
        %dma_wait3A_73 = arith.constant 0 : i32
        %dma_wait3A_74 = arith.constant 0 : i32
        %dma_wait3A_75 = tpu.memref_slice %arg11[%dma_wait3A_73, %dma_wait3A_74] : memref<10112x128xf32, #tpu.memory_space<vmem_shared>> -> memref<10112x128xf32, #tpu.memory_space<vmem_shared>>
        tpu.wait_indirect_dma semaphore(%run_scoped3A_63 : memref<!tpu.dma_semaphore, #tpu.memory_space<semaphore_mem>>) src(%arg10 : memref<128x128xf32, #tpu.memory_space<vmem>>) dst(%dma_wait3A_75 : memref<10112x128xf32, #tpu.memory_space<vmem_shared>>)
        tpu.yield
      }) : () -> ()
    }
    %scan3A_13 = arith.constant 20 : i32
    "tpu.region"() ({
      %run_scoped3A_34 = tpu.sem_alloc : memref<!tpu.dma_semaphore, #tpu.memory_space<semaphore_mem>>
      %dma_start3A_35 = arith.constant 0 : i32
      %dma_start3A_36 = arith.constant 0 : i32
      %dma_start3A_37 = tpu.memref_slice %arg7[%dma_start3A_35, %dma_start3A_36] : memref<40x128xi32, #tpu.memory_space<vmem>> -> memref<39x128xi32, #tpu.memory_space<vmem>>
      %dma_start3A_38 = arith.constant 0 : i32
      %dma_start3A_39 = arith.constant 0 : i32
      %dma_start3A_40 = tpu.memref_slice %arg3[%add3A, %dma_start3A_38, %dma_start3A_39] : memref<32x79x128xi32, #tpu.memory_space<hbm>> -> memref<1x79x128xi32, #tpu.memory_space<hbm>>
      %dma_start3A_41 = tpu.memref_squeeze %dma_start3A_40 : memref<1x79x128xi32, #tpu.memory_space<hbm>> -> memref<79x128xi32, #tpu.memory_space<hbm>>
      %dma_start3A_42 = arith.constant 40 : i32
      %dma_start3A_43 = arith.constant 0 : i32
      %dma_start3A_44 = tpu.memref_slice %dma_start3A_41[%dma_start3A_42, %dma_start3A_43] : memref<79x128xi32, #tpu.memory_space<hbm>> -> memref<39x128xi32, #tpu.memory_space<hbm>>
      %dma_start3A_45 = arith.constant 0 : i32
      %dma_start3A_46 = arith.constant 0 : i32
      %dma_start3A_47 = tpu.memref_slice %arg7[%dma_start3A_45, %dma_start3A_46] : memref<40x128xi32, #tpu.memory_space<vmem>> -> memref<39x128xi32, #tpu.memory_space<vmem>>
      %dma_start3A_48 = arith.constant 0 : i32
      %dma_start3A_49 = arith.constant 0 : i32
      %dma_start3A_50 = tpu.memref_slice %arg3[%add3A, %dma_start3A_48, %dma_start3A_49] : memref<32x79x128xi32, #tpu.memory_space<hbm>> -> memref<1x79x128xi32, #tpu.memory_space<hbm>>
      %dma_start3A_51 = tpu.memref_squeeze %dma_start3A_50 : memref<1x79x128xi32, #tpu.memory_space<hbm>> -> memref<79x128xi32, #tpu.memory_space<hbm>>
      %dma_start3A_52 = arith.constant 40 : i32
      %dma_start3A_53 = arith.constant 0 : i32
      %dma_start3A_54 = tpu.memref_slice %dma_start3A_51[%dma_start3A_52, %dma_start3A_53] : memref<79x128xi32, #tpu.memory_space<hbm>> -> memref<39x128xi32, #tpu.memory_space<hbm>>
      tpu.enqueue_dma source(%dma_start3A_54 : memref<39x128xi32, #tpu.memory_space<hbm>>) target(%dma_start3A_47 : memref<39x128xi32, #tpu.memory_space<vmem>>) target_semaphore(%run_scoped3A_34 : memref<!tpu.dma_semaphore, #tpu.memory_space<semaphore_mem>>)
      %dma_wait3A_55 = arith.constant 0 : i32
      %dma_wait3A_56 = arith.constant 0 : i32
      %dma_wait3A_57 = tpu.memref_slice %arg7[%dma_wait3A_55, %dma_wait3A_56] : memref<40x128xi32, #tpu.memory_space<vmem>> -> memref<39x128xi32, #tpu.memory_space<vmem>>
      %dma_wait3A_58 = arith.constant 0 : i32
      %dma_wait3A_59 = arith.constant 0 : i32
      %dma_wait3A_60 = tpu.memref_slice %arg3[%add3A, %dma_wait3A_58, %dma_wait3A_59] : memref<32x79x128xi32, #tpu.memory_space<hbm>> -> memref<1x79x128xi32, #tpu.memory_space<hbm>>
      %dma_wait3A_61 = tpu.memref_squeeze %dma_wait3A_60 : memref<1x79x128xi32, #tpu.memory_space<hbm>> -> memref<79x128xi32, #tpu.memory_space<hbm>>
      %dma_wait3A_62 = arith.constant 40 : i32
      %dma_wait3A_63 = arith.constant 0 : i32
      %dma_wait3A_64 = tpu.memref_slice %dma_wait3A_61[%dma_wait3A_62, %dma_wait3A_63] : memref<79x128xi32, #tpu.memory_space<hbm>> -> memref<39x128xi32, #tpu.memory_space<hbm>>
      %dma_wait3A_65 = arith.constant 0 : i32
      %dma_wait3A_66 = arith.constant 0 : i32
      %dma_wait3A_67 = tpu.memref_slice %arg7[%dma_wait3A_65, %dma_wait3A_66] : memref<40x128xi32, #tpu.memory_space<vmem>> -> memref<39x128xi32, #tpu.memory_space<vmem>>
      %dma_wait3A_68 = arith.constant 0 : i32
      %dma_wait3A_69 = arith.constant 0 : i32
      %dma_wait3A_70 = tpu.memref_slice %arg3[%add3A, %dma_wait3A_68, %dma_wait3A_69] : memref<32x79x128xi32, #tpu.memory_space<hbm>> -> memref<1x79x128xi32, #tpu.memory_space<hbm>>
      %dma_wait3A_71 = tpu.memref_squeeze %dma_wait3A_70 : memref<1x79x128xi32, #tpu.memory_space<hbm>> -> memref<79x128xi32, #tpu.memory_space<hbm>>
      %dma_wait3A_72 = arith.constant 40 : i32
      %dma_wait3A_73 = arith.constant 0 : i32
      %dma_wait3A_74 = tpu.memref_slice %dma_wait3A_71[%dma_wait3A_72, %dma_wait3A_73] : memref<79x128xi32, #tpu.memory_space<hbm>> -> memref<39x128xi32, #tpu.memory_space<hbm>>
      tpu.wait_dma2 semaphore(%run_scoped3A_34 : memref<!tpu.dma_semaphore, #tpu.memory_space<semaphore_mem>>) src(%dma_wait3A_74 : memref<39x128xi32, #tpu.memory_space<hbm>>) dst(%dma_wait3A_67 : memref<39x128xi32, #tpu.memory_space<vmem>>)
      tpu.yield
    }) : () -> ()
    "tpu.region"() ({
      %run_scoped3A_34 = tpu.sem_alloc : memref<!tpu.dma_semaphore, #tpu.memory_space<semaphore_mem>>
      %dma_start3A_35 = arith.constant 0 : i32
      %dma_start3A_36 = arith.constant 0 : i32
      %dma_start3A_37 = tpu.memref_slice %arg8[%dma_start3A_35, %dma_start3A_36] : memref<40x128xi32, #tpu.memory_space<vmem>> -> memref<39x128xi32, #tpu.memory_space<vmem>>
      %dma_start3A_38 = arith.constant 0 : i32
      %dma_start3A_39 = arith.constant 0 : i32
      %dma_start3A_40 = tpu.memref_slice %arg4[%add3A, %dma_start3A_38, %dma_start3A_39] : memref<32x79x128xi32, #tpu.memory_space<hbm>> -> memref<1x79x128xi32, #tpu.memory_space<hbm>>
      %dma_start3A_41 = tpu.memref_squeeze %dma_start3A_40 : memref<1x79x128xi32, #tpu.memory_space<hbm>> -> memref<79x128xi32, #tpu.memory_space<hbm>>
      %dma_start3A_42 = arith.constant 40 : i32
      %dma_start3A_43 = arith.constant 0 : i32
      %dma_start3A_44 = tpu.memref_slice %dma_start3A_41[%dma_start3A_42, %dma_start3A_43] : memref<79x128xi32, #tpu.memory_space<hbm>> -> memref<39x128xi32, #tpu.memory_space<hbm>>
      %dma_start3A_45 = arith.constant 0 : i32
      %dma_start3A_46 = arith.constant 0 : i32
      %dma_start3A_47 = tpu.memref_slice %arg8[%dma_start3A_45, %dma_start3A_46] : memref<40x128xi32, #tpu.memory_space<vmem>> -> memref<39x128xi32, #tpu.memory_space<vmem>>
      %dma_start3A_48 = arith.constant 0 : i32
      %dma_start3A_49 = arith.constant 0 : i32
      %dma_start3A_50 = tpu.memref_slice %arg4[%add3A, %dma_start3A_48, %dma_start3A_49] : memref<32x79x128xi32, #tpu.memory_space<hbm>> -> memref<1x79x128xi32, #tpu.memory_space<hbm>>
      %dma_start3A_51 = tpu.memref_squeeze %dma_start3A_50 : memref<1x79x128xi32, #tpu.memory_space<hbm>> -> memref<79x128xi32, #tpu.memory_space<hbm>>
      %dma_start3A_52 = arith.constant 40 : i32
      %dma_start3A_53 = arith.constant 0 : i32
      %dma_start3A_54 = tpu.memref_slice %dma_start3A_51[%dma_start3A_52, %dma_start3A_53] : memref<79x128xi32, #tpu.memory_space<hbm>> -> memref<39x128xi32, #tpu.memory_space<hbm>>
      tpu.enqueue_dma source(%dma_start3A_54 : memref<39x128xi32, #tpu.memory_space<hbm>>) target(%dma_start3A_47 : memref<39x128xi32, #tpu.memory_space<vmem>>) target_semaphore(%run_scoped3A_34 : memref<!tpu.dma_semaphore, #tpu.memory_space<semaphore_mem>>)
      %dma_wait3A_55 = arith.constant 0 : i32
      %dma_wait3A_56 = arith.constant 0 : i32
      %dma_wait3A_57 = tpu.memref_slice %arg8[%dma_wait3A_55, %dma_wait3A_56] : memref<40x128xi32, #tpu.memory_space<vmem>> -> memref<39x128xi32, #tpu.memory_space<vmem>>
      %dma_wait3A_58 = arith.constant 0 : i32
      %dma_wait3A_59 = arith.constant 0 : i32
      %dma_wait3A_60 = tpu.memref_slice %arg4[%add3A, %dma_wait3A_58, %dma_wait3A_59] : memref<32x79x128xi32, #tpu.memory_space<hbm>> -> memref<1x79x128xi32, #tpu.memory_space<hbm>>
      %dma_wait3A_61 = tpu.memref_squeeze %dma_wait3A_60 : memref<1x79x128xi32, #tpu.memory_space<hbm>> -> memref<79x128xi32, #tpu.memory_space<hbm>>
      %dma_wait3A_62 = arith.constant 40 : i32
      %dma_wait3A_63 = arith.constant 0 : i32
      %dma_wait3A_64 = tpu.memref_slice %dma_wait3A_61[%dma_wait3A_62, %dma_wait3A_63] : memref<79x128xi32, #tpu.memory_space<hbm>> -> memref<39x128xi32, #tpu.memory_space<hbm>>
      %dma_wait3A_65 = arith.constant 0 : i32
      %dma_wait3A_66 = arith.constant 0 : i32
      %dma_wait3A_67 = tpu.memref_slice %arg8[%dma_wait3A_65, %dma_wait3A_66] : memref<40x128xi32, #tpu.memory_space<vmem>> -> memref<39x128xi32, #tpu.memory_space<vmem>>
      %dma_wait3A_68 = arith.constant 0 : i32
      %dma_wait3A_69 = arith.constant 0 : i32
      %dma_wait3A_70 = tpu.memref_slice %arg4[%add3A, %dma_wait3A_68, %dma_wait3A_69] : memref<32x79x128xi32, #tpu.memory_space<hbm>> -> memref<1x79x128xi32, #tpu.memory_space<hbm>>
      %dma_wait3A_71 = tpu.memref_squeeze %dma_wait3A_70 : memref<1x79x128xi32, #tpu.memory_space<hbm>> -> memref<79x128xi32, #tpu.memory_space<hbm>>
      %dma_wait3A_72 = arith.constant 40 : i32
      %dma_wait3A_73 = arith.constant 0 : i32
      %dma_wait3A_74 = tpu.memref_slice %dma_wait3A_71[%dma_wait3A_72, %dma_wait3A_73] : memref<79x128xi32, #tpu.memory_space<hbm>> -> memref<39x128xi32, #tpu.memory_space<hbm>>
      tpu.wait_dma2 semaphore(%run_scoped3A_34 : memref<!tpu.dma_semaphore, #tpu.memory_space<semaphore_mem>>) src(%dma_wait3A_74 : memref<39x128xi32, #tpu.memory_space<hbm>>) dst(%dma_wait3A_67 : memref<39x128xi32, #tpu.memory_space<vmem>>)
      tpu.yield
    }) : () -> ()
    %dma_start3A_14 = arith.constant 0 : i32
    %dma_start3A_15 = arith.constant 0 : i32
    %dma_start3A_16 = tpu.memref_slice %arg7[%dma_start3A_14, %dma_start3A_15] : memref<40x128xi32, #tpu.memory_space<vmem>> -> memref<1x128xi32, #tpu.memory_space<vmem>>
    %dma_start3A_17 = tpu.memref_squeeze %dma_start3A_16 : memref<1x128xi32, #tpu.memory_space<vmem>> -> memref<128xi32, #tpu.memory_space<vmem>>
    %dma_start3A_18 = arith.constant 0 : i32
    %dma_start3A_19 = arith.constant 0 : i32
    %dma_start3A_20 = tpu.memref_slice %arg2[%dma_start3A_18, %dma_start3A_19] : memref<10000x128xf32, #tpu.memory_space<hbm>> -> memref<10000x128xf32, #tpu.memory_space<hbm>>
    tpu.enqueue_indirect_dma source(%dma_start3A_20 : memref<10000x128xf32, #tpu.memory_space<hbm>>) target(%arg9 : memref<128x128xf32, #tpu.memory_space<vmem>>) offsets(%dma_start3A_17 : memref<128xi32, #tpu.memory_space<vmem>>) semaphore(%arg12 : memref<!tpu.dma_semaphore, #tpu.memory_space<semaphore_mem>>)
    %scan3A_21 = arith.constant 0 : i32
    %scan3A_22 = arith.constant 0 : i32
    %scan3A_23 = arith.constant 19 : i32
    %scan3A_24 = arith.addi %scan3A_22, %scan3A_23 : i32
    %scan3A_25 = arith.constant 1 : i32
    scf.for %scan3A_34 = %scan3A_22 to %scan3A_24 step %scan3A_25  : i32 {
      %mul3A_35 = arith.constant 2 : i32
      %mul3A_36 = arith.muli %scan3A_34, %mul3A_35 : i32
      %add3A_37 = arith.constant 1 : i32
      %add3A_38 = arith.addi %mul3A_36, %add3A_37 : i32
      %dma_start3A_39 = arith.constant 0 : i32
      %dma_start3A_40 = tpu.memref_slice %arg7[%add3A_38, %dma_start3A_39] : memref<40x128xi32, #tpu.memory_space<vmem>> -> memref<1x128xi32, #tpu.memory_space<vmem>>
      %dma_start3A_41 = tpu.memref_squeeze %dma_start3A_40 : memref<1x128xi32, #tpu.memory_space<vmem>> -> memref<128xi32, #tpu.memory_space<vmem>>
      %dma_start3A_42 = arith.constant 0 : i32
      %dma_start3A_43 = arith.constant 0 : i32
      %dma_start3A_44 = tpu.memref_slice %arg2[%dma_start3A_42, %dma_start3A_43] : memref<10000x128xf32, #tpu.memory_space<hbm>> -> memref<10000x128xf32, #tpu.memory_space<hbm>>
      tpu.enqueue_indirect_dma source(%dma_start3A_44 : memref<10000x128xf32, #tpu.memory_space<hbm>>) target(%arg10 : memref<128x128xf32, #tpu.memory_space<vmem>>) offsets(%dma_start3A_41 : memref<128xi32, #tpu.memory_space<vmem>>) semaphore(%arg13 : memref<!tpu.dma_semaphore, #tpu.memory_space<semaphore_mem>>)
      %dma_wait3A_45 = arith.constant 0 : i32
      %dma_wait3A_46 = tpu.memref_slice %arg7[%mul3A_36, %dma_wait3A_45] : memref<40x128xi32, #tpu.memory_space<vmem>> -> memref<1x128xi32, #tpu.memory_space<vmem>>
      %dma_wait3A_47 = tpu.memref_squeeze %dma_wait3A_46 : memref<1x128xi32, #tpu.memory_space<vmem>> -> memref<128xi32, #tpu.memory_space<vmem>>
      %dma_wait3A_48 = arith.constant 0 : i32
      %dma_wait3A_49 = arith.constant 0 : i32
      %dma_wait3A_50 = tpu.memref_slice %arg2[%dma_wait3A_48, %dma_wait3A_49] : memref<10000x128xf32, #tpu.memory_space<hbm>> -> memref<10000x128xf32, #tpu.memory_space<hbm>>
      tpu.wait_indirect_dma semaphore(%arg12 : memref<!tpu.dma_semaphore, #tpu.memory_space<semaphore_mem>>) src(%dma_wait3A_50 : memref<10000x128xf32, #tpu.memory_space<hbm>>) dst(%arg9 : memref<128x128xf32, #tpu.memory_space<vmem>>)
      "tpu.region"() ({
        %run_scoped3A_69 = tpu.sem_alloc : memref<!tpu.dma_semaphore, #tpu.memory_space<semaphore_mem>>
        %dma_start3A_70 = arith.constant 0 : i32
        %dma_start3A_71 = tpu.memref_slice %arg8[%mul3A_36, %dma_start3A_70] : memref<40x128xi32, #tpu.memory_space<vmem>> -> memref<1x128xi32, #tpu.memory_space<vmem>>
        %dma_start3A_72 = tpu.memref_squeeze %dma_start3A_71 : memref<1x128xi32, #tpu.memory_space<vmem>> -> memref<128xi32, #tpu.memory_space<vmem>>
        %dma_start3A_73 = arith.constant 0 : i32
        %dma_start3A_74 = arith.constant 0 : i32
        %dma_start3A_75 = tpu.memref_slice %arg11[%dma_start3A_73, %dma_start3A_74] : memref<10112x128xf32, #tpu.memory_space<vmem_shared>> -> memref<10112x128xf32, #tpu.memory_space<vmem_shared>>
        tpu.enqueue_indirect_dma source(%arg9 : memref<128x128xf32, #tpu.memory_space<vmem>>) target(%dma_start3A_75 : memref<10112x128xf32, #tpu.memory_space<vmem_shared>>) offsets(%dma_start3A_72 : memref<128xi32, #tpu.memory_space<vmem>>) semaphore(%run_scoped3A_69 : memref<!tpu.dma_semaphore, #tpu.memory_space<semaphore_mem>>) {add = true}
        %dma_wait3A_76 = arith.constant 0 : i32
        %dma_wait3A_77 = tpu.memref_slice %arg8[%mul3A_36, %dma_wait3A_76] : memref<40x128xi32, #tpu.memory_space<vmem>> -> memref<1x128xi32, #tpu.memory_space<vmem>>
        %dma_wait3A_78 = tpu.memref_squeeze %dma_wait3A_77 : memref<1x128xi32, #tpu.memory_space<vmem>> -> memref<128xi32, #tpu.memory_space<vmem>>
        %dma_wait3A_79 = arith.constant 0 : i32
        %dma_wait3A_80 = arith.constant 0 : i32
        %dma_wait3A_81 = tpu.memref_slice %arg11[%dma_wait3A_79, %dma_wait3A_80] : memref<10112x128xf32, #tpu.memory_space<vmem_shared>> -> memref<10112x128xf32, #tpu.memory_space<vmem_shared>>
        tpu.wait_indirect_dma semaphore(%run_scoped3A_69 : memref<!tpu.dma_semaphore, #tpu.memory_space<semaphore_mem>>) src(%arg9 : memref<128x128xf32, #tpu.memory_space<vmem>>) dst(%dma_wait3A_81 : memref<10112x128xf32, #tpu.memory_space<vmem_shared>>)
        tpu.yield
      }) : () -> ()
      %add3A_51 = arith.constant 2 : i32
      %add3A_52 = arith.addi %mul3A_36, %add3A_51 : i32
      %dma_start3A_53 = arith.constant 0 : i32
      %dma_start3A_54 = tpu.memref_slice %arg7[%add3A_52, %dma_start3A_53] : memref<40x128xi32, #tpu.memory_space<vmem>> -> memref<1x128xi32, #tpu.memory_space<vmem>>
      %dma_start3A_55 = tpu.memref_squeeze %dma_start3A_54 : memref<1x128xi32, #tpu.memory_space<vmem>> -> memref<128xi32, #tpu.memory_space<vmem>>
      %dma_start3A_56 = arith.constant 0 : i32
      %dma_start3A_57 = arith.constant 0 : i32
      %dma_start3A_58 = tpu.memref_slice %arg2[%dma_start3A_56, %dma_start3A_57] : memref<10000x128xf32, #tpu.memory_space<hbm>> -> memref<10000x128xf32, #tpu.memory_space<hbm>>
      tpu.enqueue_indirect_dma source(%dma_start3A_58 : memref<10000x128xf32, #tpu.memory_space<hbm>>) target(%arg9 : memref<128x128xf32, #tpu.memory_space<vmem>>) offsets(%dma_start3A_55 : memref<128xi32, #tpu.memory_space<vmem>>) semaphore(%arg12 : memref<!tpu.dma_semaphore, #tpu.memory_space<semaphore_mem>>)
      %add3A_59 = arith.constant 1 : i32
      %add3A_60 = arith.addi %mul3A_36, %add3A_59 : i32
      %dma_wait3A_61 = arith.constant 0 : i32
      %dma_wait3A_62 = tpu.memref_slice %arg7[%add3A_60, %dma_wait3A_61] : memref<40x128xi32, #tpu.memory_space<vmem>> -> memref<1x128xi32, #tpu.memory_space<vmem>>
      %dma_wait3A_63 = tpu.memref_squeeze %dma_wait3A_62 : memref<1x128xi32, #tpu.memory_space<vmem>> -> memref<128xi32, #tpu.memory_space<vmem>>
      %dma_wait3A_64 = arith.constant 0 : i32
      %dma_wait3A_65 = arith.constant 0 : i32
      %dma_wait3A_66 = tpu.memref_slice %arg2[%dma_wait3A_64, %dma_wait3A_65] : memref<10000x128xf32, #tpu.memory_space<hbm>> -> memref<10000x128xf32, #tpu.memory_space<hbm>>
      tpu.wait_indirect_dma semaphore(%arg13 : memref<!tpu.dma_semaphore, #tpu.memory_space<semaphore_mem>>) src(%dma_wait3A_66 : memref<10000x128xf32, #tpu.memory_space<hbm>>) dst(%arg10 : memref<128x128xf32, #tpu.memory_space<vmem>>)
      %add3A_67 = arith.constant 1 : i32
      %add3A_68 = arith.addi %mul3A_36, %add3A_67 : i32
      "tpu.region"() ({
        %run_scoped3A_69 = tpu.sem_alloc : memref<!tpu.dma_semaphore, #tpu.memory_space<semaphore_mem>>
        %dma_start3A_70 = arith.constant 0 : i32
        %dma_start3A_71 = tpu.memref_slice %arg8[%add3A_68, %dma_start3A_70] : memref<40x128xi32, #tpu.memory_space<vmem>> -> memref<1x128xi32, #tpu.memory_space<vmem>>
        %dma_start3A_72 = tpu.memref_squeeze %dma_start3A_71 : memref<1x128xi32, #tpu.memory_space<vmem>> -> memref<128xi32, #tpu.memory_space<vmem>>
        %dma_start3A_73 = arith.constant 0 : i32
        %dma_start3A_74 = arith.constant 0 : i32
        %dma_start3A_75 = tpu.memref_slice %arg11[%dma_start3A_73, %dma_start3A_74] : memref<10112x128xf32, #tpu.memory_space<vmem_shared>> -> memref<10112x128xf32, #tpu.memory_space<vmem_shared>>
        tpu.enqueue_indirect_dma source(%arg10 : memref<128x128xf32, #tpu.memory_space<vmem>>) target(%dma_start3A_75 : memref<10112x128xf32, #tpu.memory_space<vmem_shared>>) offsets(%dma_start3A_72 : memref<128xi32, #tpu.memory_space<vmem>>) semaphore(%run_scoped3A_69 : memref<!tpu.dma_semaphore, #tpu.memory_space<semaphore_mem>>) {add = true}
        %dma_wait3A_76 = arith.constant 0 : i32
        %dma_wait3A_77 = tpu.memref_slice %arg8[%add3A_68, %dma_wait3A_76] : memref<40x128xi32, #tpu.memory_space<vmem>> -> memref<1x128xi32, #tpu.memory_space<vmem>>
        %dma_wait3A_78 = tpu.memref_squeeze %dma_wait3A_77 : memref<1x128xi32, #tpu.memory_space<vmem>> -> memref<128xi32, #tpu.memory_space<vmem>>
        %dma_wait3A_79 = arith.constant 0 : i32
        %dma_wait3A_80 = arith.constant 0 : i32
        %dma_wait3A_81 = tpu.memref_slice %arg11[%dma_wait3A_79, %dma_wait3A_80] : memref<10112x128xf32, #tpu.memory_space<vmem_shared>> -> memref<10112x128xf32, #tpu.memory_space<vmem_shared>>
        tpu.wait_indirect_dma semaphore(%run_scoped3A_69 : memref<!tpu.dma_semaphore, #tpu.memory_space<semaphore_mem>>) src(%arg10 : memref<128x128xf32, #tpu.memory_space<vmem>>) dst(%dma_wait3A_81 : memref<10112x128xf32, #tpu.memory_space<vmem_shared>>)
        tpu.yield
      }) : () -> ()
    }
    %scan3A_26 = arith.constant 19 : i32
    %dma_wait3A = arith.constant 38 : i32
    %dma_wait3A_27 = arith.constant 0 : i32
    %dma_wait3A_28 = tpu.memref_slice %arg7[%dma_wait3A, %dma_wait3A_27] : memref<40x128xi32, #tpu.memory_space<vmem>> -> memref<1x128xi32, #tpu.memory_space<vmem>>
    %dma_wait3A_29 = tpu.memref_squeeze %dma_wait3A_28 : memref<1x128xi32, #tpu.memory_space<vmem>> -> memref<128xi32, #tpu.memory_space<vmem>>
    %dma_wait3A_30 = arith.constant 0 : i32
    %dma_wait3A_31 = arith.constant 0 : i32
    %dma_wait3A_32 = tpu.memref_slice %arg2[%dma_wait3A_30, %dma_wait3A_31] : memref<10000x128xf32, #tpu.memory_space<hbm>> -> memref<10000x128xf32, #tpu.memory_space<hbm>>
    tpu.wait_indirect_dma semaphore(%arg12 : memref<!tpu.dma_semaphore, #tpu.memory_space<semaphore_mem>>) src(%dma_wait3A_32 : memref<10000x128xf32, #tpu.memory_space<hbm>>) dst(%arg9 : memref<128x128xf32, #tpu.memory_space<vmem>>)
    %run_scoped3A = arith.constant 38 : i32
    "tpu.region"() ({
      %run_scoped3A_34 = tpu.sem_alloc : memref<!tpu.dma_semaphore, #tpu.memory_space<semaphore_mem>>
      %dma_start3A_35 = arith.constant 0 : i32
      %dma_start3A_36 = tpu.memref_slice %arg8[%run_scoped3A, %dma_start3A_35] : memref<40x128xi32, #tpu.memory_space<vmem>> -> memref<1x128xi32, #tpu.memory_space<vmem>>
      %dma_start3A_37 = tpu.memref_squeeze %dma_start3A_36 : memref<1x128xi32, #tpu.memory_space<vmem>> -> memref<128xi32, #tpu.memory_space<vmem>>
      %dma_start3A_38 = arith.constant 0 : i32
      %dma_start3A_39 = arith.constant 0 : i32
      %dma_start3A_40 = tpu.memref_slice %arg11[%dma_start3A_38, %dma_start3A_39] : memref<10112x128xf32, #tpu.memory_space<vmem_shared>> -> memref<10112x128xf32, #tpu.memory_space<vmem_shared>>
      tpu.enqueue_indirect_dma source(%arg9 : memref<128x128xf32, #tpu.memory_space<vmem>>) target(%dma_start3A_40 : memref<10112x128xf32, #tpu.memory_space<vmem_shared>>) offsets(%dma_start3A_37 : memref<128xi32, #tpu.memory_space<vmem>>) semaphore(%run_scoped3A_34 : memref<!tpu.dma_semaphore, #tpu.memory_space<semaphore_mem>>) {add = true}
      %dma_wait3A_41 = arith.constant 0 : i32
      %dma_wait3A_42 = tpu.memref_slice %arg8[%run_scoped3A, %dma_wait3A_41] : memref<40x128xi32, #tpu.memory_space<vmem>> -> memref<1x128xi32, #tpu.memory_space<vmem>>
      %dma_wait3A_43 = tpu.memref_squeeze %dma_wait3A_42 : memref<1x128xi32, #tpu.memory_space<vmem>> -> memref<128xi32, #tpu.memory_space<vmem>>
      %dma_wait3A_44 = arith.constant 0 : i32
      %dma_wait3A_45 = arith.constant 0 : i32
      %dma_wait3A_46 = tpu.memref_slice %arg11[%dma_wait3A_44, %dma_wait3A_45] : memref<10112x128xf32, #tpu.memory_space<vmem_shared>> -> memref<10112x128xf32, #tpu.memory_space<vmem_shared>>
      tpu.wait_indirect_dma semaphore(%run_scoped3A_34 : memref<!tpu.dma_semaphore, #tpu.memory_space<semaphore_mem>>) src(%arg9 : memref<128x128xf32, #tpu.memory_space<vmem>>) dst(%dma_wait3A_46 : memref<10112x128xf32, #tpu.memory_space<vmem_shared>>)
      tpu.yield
    }) : () -> ()
    %barrier3A_33 = arith.constant 0 : index
    tpu.barrier barrier_id(%barrier3A_33)
    "tpu.region"() ({
      %run_scoped3A_34 = tpu.sem_alloc : memref<!tpu.dma_semaphore, #tpu.memory_space<semaphore_mem>>
      %dma_start3A_35 = arith.constant 0 : i32
      %dma_start3A_36 = arith.constant 0 : i32
      %dma_start3A_37 = tpu.memref_slice %arg6[%arg0, %dma_start3A_35, %dma_start3A_36] : memref<2x10112x128xf32, #tpu.memory_space<hbm>> -> memref<1x10112x128xf32, #tpu.memory_space<hbm>>
      %dma_start3A_38 = tpu.memref_squeeze %dma_start3A_37 : memref<1x10112x128xf32, #tpu.memory_space<hbm>> -> memref<10112x128xf32, #tpu.memory_space<hbm>>
      %dma_start3A_39 = arith.constant 0 : i32
      %dma_start3A_40 = tpu.memref_slice %dma_start3A_38[%mul3A_2, %dma_start3A_39] : memref<10112x128xf32, #tpu.memory_space<hbm>> -> memref<632x128xf32, #tpu.memory_space<hbm>>
      %dma_start3A_41 = arith.constant 0 : i32
      %dma_start3A_42 = tpu.memref_slice %arg11[%mul3A_2, %dma_start3A_41] : memref<10112x128xf32, #tpu.memory_space<vmem_shared>> -> memref<632x128xf32, #tpu.memory_space<vmem_shared>>
      tpu.enqueue_dma source(%dma_start3A_42 : memref<632x128xf32, #tpu.memory_space<vmem_shared>>) target(%dma_start3A_40 : memref<632x128xf32, #tpu.memory_space<hbm>>) target_semaphore(%run_scoped3A_34 : memref<!tpu.dma_semaphore, #tpu.memory_space<semaphore_mem>>)
      %dma_wait3A_43 = arith.constant 0 : i32
      %dma_wait3A_44 = arith.constant 0 : i32
      %dma_wait3A_45 = tpu.memref_slice %arg6[%arg0, %dma_wait3A_43, %dma_wait3A_44] : memref<2x10112x128xf32, #tpu.memory_space<hbm>> -> memref<1x10112x128xf32, #tpu.memory_space<hbm>>
      %dma_wait3A_46 = tpu.memref_squeeze %dma_wait3A_45 : memref<1x10112x128xf32, #tpu.memory_space<hbm>> -> memref<10112x128xf32, #tpu.memory_space<hbm>>
      %dma_wait3A_47 = arith.constant 0 : i32
      %dma_wait3A_48 = tpu.memref_slice %dma_wait3A_46[%mul3A_2, %dma_wait3A_47] : memref<10112x128xf32, #tpu.memory_space<hbm>> -> memref<632x128xf32, #tpu.memory_space<hbm>>
      %dma_wait3A_49 = arith.constant 0 : i32
      %dma_wait3A_50 = tpu.memref_slice %arg11[%mul3A_2, %dma_wait3A_49] : memref<10112x128xf32, #tpu.memory_space<vmem_shared>> -> memref<632x128xf32, #tpu.memory_space<vmem_shared>>
      tpu.wait_dma2 semaphore(%run_scoped3A_34 : memref<!tpu.dma_semaphore, #tpu.memory_space<semaphore_mem>>) src(%dma_wait3A_50 : memref<632x128xf32, #tpu.memory_space<vmem_shared>>) dst(%dma_wait3A_48 : memref<632x128xf32, #tpu.memory_space<hbm>>)
      tpu.yield
    }) : () -> ()
    return
  }
}

#map = affine_map<(d0, d1) -> (0, 0, 0)>
#map1 = affine_map<(d0, d1) -> (0, 0)>
module attributes {stable_mosaic.version = 14 : i64} {
  func.func @_hist(%arg0: i32, %arg1: i32, %arg2: memref<32x79x128xi32, #tpu.memory_space<hbm>>, %arg3: memref<128x128xf32, #tpu.memory_space<hbm>>, %arg4: memref<10112x128xf32, #tpu.memory_space<hbm>>, %arg5: memref<2x10112x128xf32, #tpu.memory_space<hbm>>, %arg6: memref<79x128xi32, #tpu.memory_space<vmem>>, %arg7: memref<128x128xf32, #tpu.memory_space<vmem>>, %arg8: memref<10112x128xf32, #tpu.memory_space<vmem_shared>>) attributes {dimension_semantics = [#tpu.dimension_semantics<core_parallel>, #tpu.dimension_semantics<subcore_parallel>], iteration_bounds = array<i64: 2, 16>, scalar_prefetch = 0 : i64, scratch_operands = 3 : i64, tpu.core_type = #tpu.core_type<sc_vector_subcore>, window_params = [{transform_indices = #map}, {transform_indices = #map1}, {transform_indices = #map1}, {transform_indices = #map}]} {
    %mul3A = arith.constant 2 : i32
    %mul3A_0 = arith.muli %arg1, %mul3A : i32
    %add3A = arith.addi %mul3A_0, %arg0 : i32
    "tpu.region"() ({
      %run_scoped3A = tpu.sem_alloc : memref<!tpu.dma_semaphore, #tpu.memory_space<semaphore_mem>>
      %dma_start3A = arith.constant 0 : i32
      %dma_start3A_9 = arith.constant 0 : i32
      %dma_start3A_10 = tpu.memref_slice %arg2[%add3A, %dma_start3A, %dma_start3A_9] : memref<32x79x128xi32, #tpu.memory_space<hbm>> -> memref<1x79x128xi32, #tpu.memory_space<hbm>>
      %dma_start3A_11 = tpu.memref_squeeze %dma_start3A_10 : memref<1x79x128xi32, #tpu.memory_space<hbm>> -> memref<79x128xi32, #tpu.memory_space<hbm>>
      %dma_start3A_12 = arith.constant 0 : i32
      %dma_start3A_13 = arith.constant 0 : i32
      %dma_start3A_14 = tpu.memref_slice %arg2[%add3A, %dma_start3A_12, %dma_start3A_13] : memref<32x79x128xi32, #tpu.memory_space<hbm>> -> memref<1x79x128xi32, #tpu.memory_space<hbm>>
      %dma_start3A_15 = tpu.memref_squeeze %dma_start3A_14 : memref<1x79x128xi32, #tpu.memory_space<hbm>> -> memref<79x128xi32, #tpu.memory_space<hbm>>
      tpu.enqueue_dma source(%dma_start3A_15 : memref<79x128xi32, #tpu.memory_space<hbm>>) target(%arg6 : memref<79x128xi32, #tpu.memory_space<vmem>>) target_semaphore(%run_scoped3A : memref<!tpu.dma_semaphore, #tpu.memory_space<semaphore_mem>>)
      %dma_wait3A = arith.constant 0 : i32
      %dma_wait3A_16 = arith.constant 0 : i32
      %dma_wait3A_17 = tpu.memref_slice %arg2[%add3A, %dma_wait3A, %dma_wait3A_16] : memref<32x79x128xi32, #tpu.memory_space<hbm>> -> memref<1x79x128xi32, #tpu.memory_space<hbm>>
      %dma_wait3A_18 = tpu.memref_squeeze %dma_wait3A_17 : memref<1x79x128xi32, #tpu.memory_space<hbm>> -> memref<79x128xi32, #tpu.memory_space<hbm>>
      %dma_wait3A_19 = arith.constant 0 : i32
      %dma_wait3A_20 = arith.constant 0 : i32
      %dma_wait3A_21 = tpu.memref_slice %arg2[%add3A, %dma_wait3A_19, %dma_wait3A_20] : memref<32x79x128xi32, #tpu.memory_space<hbm>> -> memref<1x79x128xi32, #tpu.memory_space<hbm>>
      %dma_wait3A_22 = tpu.memref_squeeze %dma_wait3A_21 : memref<1x79x128xi32, #tpu.memory_space<hbm>> -> memref<79x128xi32, #tpu.memory_space<hbm>>
      tpu.wait_dma2 semaphore(%run_scoped3A : memref<!tpu.dma_semaphore, #tpu.memory_space<semaphore_mem>>) src(%dma_wait3A_22 : memref<79x128xi32, #tpu.memory_space<hbm>>) dst(%arg6 : memref<79x128xi32, #tpu.memory_space<vmem>>)
      tpu.yield
    }) : () -> ()
    "tpu.region"() ({
      %run_scoped3A = tpu.sem_alloc : memref<!tpu.dma_semaphore, #tpu.memory_space<semaphore_mem>>
      tpu.enqueue_dma source(%arg3 : memref<128x128xf32, #tpu.memory_space<hbm>>) target(%arg7 : memref<128x128xf32, #tpu.memory_space<vmem>>) target_semaphore(%run_scoped3A : memref<!tpu.dma_semaphore, #tpu.memory_space<semaphore_mem>>)
      tpu.wait_dma2 semaphore(%run_scoped3A : memref<!tpu.dma_semaphore, #tpu.memory_space<semaphore_mem>>) src(%arg3 : memref<128x128xf32, #tpu.memory_space<hbm>>) dst(%arg7 : memref<128x128xf32, #tpu.memory_space<vmem>>)
      tpu.yield
    }) : () -> ()
    %mul3A_1 = arith.constant 632 : i32
    %mul3A_2 = arith.muli %arg1, %mul3A_1 : i32
    "tpu.region"() ({
      %run_scoped3A = tpu.sem_alloc : memref<!tpu.dma_semaphore, #tpu.memory_space<semaphore_mem>>
      %dma_start3A = arith.constant 0 : i32
      %dma_start3A_9 = tpu.memref_slice %arg8[%mul3A_2, %dma_start3A] : memref<10112x128xf32, #tpu.memory_space<vmem_shared>> -> memref<632x128xf32, #tpu.memory_space<vmem_shared>>
      %dma_start3A_10 = arith.constant 0 : i32
      %dma_start3A_11 = tpu.memref_slice %arg4[%mul3A_2, %dma_start3A_10] : memref<10112x128xf32, #tpu.memory_space<hbm>> -> memref<632x128xf32, #tpu.memory_space<hbm>>
      tpu.enqueue_dma source(%dma_start3A_11 : memref<632x128xf32, #tpu.memory_space<hbm>>) target(%dma_start3A_9 : memref<632x128xf32, #tpu.memory_space<vmem_shared>>) target_semaphore(%run_scoped3A : memref<!tpu.dma_semaphore, #tpu.memory_space<semaphore_mem>>)
      %dma_wait3A = arith.constant 0 : i32
      %dma_wait3A_12 = tpu.memref_slice %arg8[%mul3A_2, %dma_wait3A] : memref<10112x128xf32, #tpu.memory_space<vmem_shared>> -> memref<632x128xf32, #tpu.memory_space<vmem_shared>>
      %dma_wait3A_13 = arith.constant 0 : i32
      %dma_wait3A_14 = tpu.memref_slice %arg4[%mul3A_2, %dma_wait3A_13] : memref<10112x128xf32, #tpu.memory_space<hbm>> -> memref<632x128xf32, #tpu.memory_space<hbm>>
      tpu.wait_dma2 semaphore(%run_scoped3A : memref<!tpu.dma_semaphore, #tpu.memory_space<semaphore_mem>>) src(%dma_wait3A_14 : memref<632x128xf32, #tpu.memory_space<hbm>>) dst(%dma_wait3A_12 : memref<632x128xf32, #tpu.memory_space<vmem_shared>>)
      tpu.yield
    }) : () -> ()
    %barrier3A = arith.constant 0 : index
    tpu.barrier barrier_id(%barrier3A)
    %scan3A = arith.constant 0 : i32
    %scan3A_3 = arith.constant 0 : i32
    %scan3A_4 = arith.constant 79 : i32
    %scan3A_5 = arith.addi %scan3A_3, %scan3A_4 : i32
    %scan3A_6 = arith.constant 1 : i32
    scf.for %scan3A_9 = %scan3A_3 to %scan3A_5 step %scan3A_6  : i32 {
      "tpu.region"() ({
        %run_scoped3A = tpu.sem_alloc : memref<!tpu.dma_semaphore, #tpu.memory_space<semaphore_mem>>
        %dma_start3A = arith.constant 0 : i32
        %dma_start3A_10 = tpu.memref_slice %arg6[%scan3A_9, %dma_start3A] : memref<79x128xi32, #tpu.memory_space<vmem>> -> memref<1x128xi32, #tpu.memory_space<vmem>>
        %dma_start3A_11 = tpu.memref_squeeze %dma_start3A_10 : memref<1x128xi32, #tpu.memory_space<vmem>> -> memref<128xi32, #tpu.memory_space<vmem>>
        %dma_start3A_12 = arith.constant 0 : i32
        %dma_start3A_13 = arith.constant 0 : i32
        %dma_start3A_14 = tpu.memref_slice %arg8[%dma_start3A_12, %dma_start3A_13] : memref<10112x128xf32, #tpu.memory_space<vmem_shared>> -> memref<10112x128xf32, #tpu.memory_space<vmem_shared>>
        tpu.enqueue_indirect_dma source(%arg7 : memref<128x128xf32, #tpu.memory_space<vmem>>) target(%dma_start3A_14 : memref<10112x128xf32, #tpu.memory_space<vmem_shared>>) offsets(%dma_start3A_11 : memref<128xi32, #tpu.memory_space<vmem>>) semaphore(%run_scoped3A : memref<!tpu.dma_semaphore, #tpu.memory_space<semaphore_mem>>) {add = true}
        %dma_wait3A = arith.constant 0 : i32
        %dma_wait3A_15 = tpu.memref_slice %arg6[%scan3A_9, %dma_wait3A] : memref<79x128xi32, #tpu.memory_space<vmem>> -> memref<1x128xi32, #tpu.memory_space<vmem>>
        %dma_wait3A_16 = tpu.memref_squeeze %dma_wait3A_15 : memref<1x128xi32, #tpu.memory_space<vmem>> -> memref<128xi32, #tpu.memory_space<vmem>>
        %dma_wait3A_17 = arith.constant 0 : i32
        %dma_wait3A_18 = arith.constant 0 : i32
        %dma_wait3A_19 = tpu.memref_slice %arg8[%dma_wait3A_17, %dma_wait3A_18] : memref<10112x128xf32, #tpu.memory_space<vmem_shared>> -> memref<10112x128xf32, #tpu.memory_space<vmem_shared>>
        tpu.wait_indirect_dma semaphore(%run_scoped3A : memref<!tpu.dma_semaphore, #tpu.memory_space<semaphore_mem>>) src(%arg7 : memref<128x128xf32, #tpu.memory_space<vmem>>) dst(%dma_wait3A_19 : memref<10112x128xf32, #tpu.memory_space<vmem_shared>>)
        tpu.yield
      }) : () -> ()
    }
    %scan3A_7 = arith.constant 79 : i32
    %barrier3A_8 = arith.constant 0 : index
    tpu.barrier barrier_id(%barrier3A_8)
    "tpu.region"() ({
      %run_scoped3A = tpu.sem_alloc : memref<!tpu.dma_semaphore, #tpu.memory_space<semaphore_mem>>
      %dma_start3A = arith.constant 0 : i32
      %dma_start3A_9 = arith.constant 0 : i32
      %dma_start3A_10 = tpu.memref_slice %arg5[%arg0, %dma_start3A, %dma_start3A_9] : memref<2x10112x128xf32, #tpu.memory_space<hbm>> -> memref<1x10112x128xf32, #tpu.memory_space<hbm>>
      %dma_start3A_11 = tpu.memref_squeeze %dma_start3A_10 : memref<1x10112x128xf32, #tpu.memory_space<hbm>> -> memref<10112x128xf32, #tpu.memory_space<hbm>>
      %dma_start3A_12 = arith.constant 0 : i32
      %dma_start3A_13 = tpu.memref_slice %dma_start3A_11[%mul3A_2, %dma_start3A_12] : memref<10112x128xf32, #tpu.memory_space<hbm>> -> memref<632x128xf32, #tpu.memory_space<hbm>>
      %dma_start3A_14 = arith.constant 0 : i32
      %dma_start3A_15 = tpu.memref_slice %arg8[%mul3A_2, %dma_start3A_14] : memref<10112x128xf32, #tpu.memory_space<vmem_shared>> -> memref<632x128xf32, #tpu.memory_space<vmem_shared>>
      tpu.enqueue_dma source(%dma_start3A_15 : memref<632x128xf32, #tpu.memory_space<vmem_shared>>) target(%dma_start3A_13 : memref<632x128xf32, #tpu.memory_space<hbm>>) target_semaphore(%run_scoped3A : memref<!tpu.dma_semaphore, #tpu.memory_space<semaphore_mem>>)
      %dma_wait3A = arith.constant 0 : i32
      %dma_wait3A_16 = arith.constant 0 : i32
      %dma_wait3A_17 = tpu.memref_slice %arg5[%arg0, %dma_wait3A, %dma_wait3A_16] : memref<2x10112x128xf32, #tpu.memory_space<hbm>> -> memref<1x10112x128xf32, #tpu.memory_space<hbm>>
      %dma_wait3A_18 = tpu.memref_squeeze %dma_wait3A_17 : memref<1x10112x128xf32, #tpu.memory_space<hbm>> -> memref<10112x128xf32, #tpu.memory_space<hbm>>
      %dma_wait3A_19 = arith.constant 0 : i32
      %dma_wait3A_20 = tpu.memref_slice %dma_wait3A_18[%mul3A_2, %dma_wait3A_19] : memref<10112x128xf32, #tpu.memory_space<hbm>> -> memref<632x128xf32, #tpu.memory_space<hbm>>
      %dma_wait3A_21 = arith.constant 0 : i32
      %dma_wait3A_22 = tpu.memref_slice %arg8[%mul3A_2, %dma_wait3A_21] : memref<10112x128xf32, #tpu.memory_space<vmem_shared>> -> memref<632x128xf32, #tpu.memory_space<vmem_shared>>
      tpu.wait_dma2 semaphore(%run_scoped3A : memref<!tpu.dma_semaphore, #tpu.memory_space<semaphore_mem>>) src(%dma_wait3A_22 : memref<632x128xf32, #tpu.memory_space<vmem_shared>>) dst(%dma_wait3A_20 : memref<632x128xf32, #tpu.memory_space<hbm>>)
      tpu.yield
    }) : () -> ()
    return
  }
}

#map = affine_map<(d0, d1) -> (0, 0)>
#map1 = affine_map<(d0, d1) -> (0, 0, 0)>
module attributes {stable_mosaic.version = 14 : i64} {
  func.func @prop(%arg0: i32, %arg1: i32, %arg2: memref<10000x128xf32, #tpu.memory_space<hbm>>, %arg3: memref<32x79x128xi32, #tpu.memory_space<hbm>>, %arg4: memref<32x79x128xi32, #tpu.memory_space<hbm>>, %arg5: memref<10112x128xf32, #tpu.memory_space<hbm>>, %arg6: memref<2x10112x128xf32, #tpu.memory_space<hbm>>, %arg7: memref<40x128xi32, #tpu.memory_space<vmem>>, %arg8: memref<40x128xi32, #tpu.memory_space<vmem>>, %arg9: memref<128x128xf32, #tpu.memory_space<vmem>>, %arg10: memref<128x128xf32, #tpu.memory_space<vmem>>, %arg11: memref<10112x128xf32, #tpu.memory_space<vmem_shared>>, %arg12: memref<!tpu.dma_semaphore, #tpu.memory_space<semaphore_mem>>, %arg13: memref<!tpu.dma_semaphore, #tpu.memory_space<semaphore_mem>>) attributes {dimension_semantics = [#tpu.dimension_semantics<core_parallel>, #tpu.dimension_semantics<subcore_parallel>], iteration_bounds = array<i64: 2, 16>, scalar_prefetch = 0 : i64, scratch_operands = 7 : i64, tpu.core_type = #tpu.core_type<sc_vector_subcore>, window_params = [{transform_indices = #map}, {transform_indices = #map1}, {transform_indices = #map1}, {transform_indices = #map}, {transform_indices = #map1}]} {
    %mul3A = arith.constant 2 : i32
    %mul3A_0 = arith.muli %arg1, %mul3A : i32
    %add3A = arith.addi %mul3A_0, %arg0 : i32
    %mul3A_1 = arith.constant 632 : i32
    %mul3A_2 = arith.muli %arg1, %mul3A_1 : i32
    "tpu.region"() ({
      %run_scoped3A_34 = tpu.sem_alloc : memref<!tpu.dma_semaphore, #tpu.memory_space<semaphore_mem>>
      %dma_start3A_35 = arith.constant 0 : i32
      %dma_start3A_36 = tpu.memref_slice %arg11[%mul3A_2, %dma_start3A_35] : memref<10112x128xf32, #tpu.memory_space<vmem_shared>> -> memref<632x128xf32, #tpu.memory_space<vmem_shared>>
      %dma_start3A_37 = arith.constant 0 : i32
      %dma_start3A_38 = tpu.memref_slice %arg5[%mul3A_2, %dma_start3A_37] : memref<10112x128xf32, #tpu.memory_space<hbm>> -> memref<632x128xf32, #tpu.memory_space<hbm>>
      tpu.enqueue_dma source(%dma_start3A_38 : memref<632x128xf32, #tpu.memory_space<hbm>>) target(%dma_start3A_36 : memref<632x128xf32, #tpu.memory_space<vmem_shared>>) target_semaphore(%run_scoped3A_34 : memref<!tpu.dma_semaphore, #tpu.memory_space<semaphore_mem>>)
      %dma_wait3A_39 = arith.constant 0 : i32
      %dma_wait3A_40 = tpu.memref_slice %arg11[%mul3A_2, %dma_wait3A_39] : memref<10112x128xf32, #tpu.memory_space<vmem_shared>> -> memref<632x128xf32, #tpu.memory_space<vmem_shared>>
      %dma_wait3A_41 = arith.constant 0 : i32
      %dma_wait3A_42 = tpu.memref_slice %arg5[%mul3A_2, %dma_wait3A_41] : memref<10112x128xf32, #tpu.memory_space<hbm>> -> memref<632x128xf32, #tpu.memory_space<hbm>>
      tpu.wait_dma2 semaphore(%run_scoped3A_34 : memref<!tpu.dma_semaphore, #tpu.memory_space<semaphore_mem>>) src(%dma_wait3A_42 : memref<632x128xf32, #tpu.memory_space<hbm>>) dst(%dma_wait3A_40 : memref<632x128xf32, #tpu.memory_space<vmem_shared>>)
      tpu.yield
    }) : () -> ()
    "tpu.region"() ({
      %run_scoped3A_34 = tpu.sem_alloc : memref<!tpu.dma_semaphore, #tpu.memory_space<semaphore_mem>>
      %dma_start3A_35 = arith.constant 0 : i32
      %dma_start3A_36 = arith.constant 0 : i32
      %dma_start3A_37 = tpu.memref_slice %arg7[%dma_start3A_35, %dma_start3A_36] : memref<40x128xi32, #tpu.memory_space<vmem>> -> memref<40x128xi32, #tpu.memory_space<vmem>>
      %dma_start3A_38 = arith.constant 0 : i32
      %dma_start3A_39 = arith.constant 0 : i32
      %dma_start3A_40 = tpu.memref_slice %arg3[%add3A, %dma_start3A_38, %dma_start3A_39] : memref<32x79x128xi32, #tpu.memory_space<hbm>> -> memref<1x79x128xi32, #tpu.memory_space<hbm>>
      %dma_start3A_41 = tpu.memref_squeeze %dma_start3A_40 : memref<1x79x128xi32, #tpu.memory_space<hbm>> -> memref<79x128xi32, #tpu.memory_space<hbm>>
      %dma_start3A_42 = arith.constant 0 : i32
      %dma_start3A_43 = arith.constant 0 : i32
      %dma_start3A_44 = tpu.memref_slice %dma_start3A_41[%dma_start3A_42, %dma_start3A_43] : memref<79x128xi32, #tpu.memory_space<hbm>> -> memref<40x128xi32, #tpu.memory_space<hbm>>
      %dma_start3A_45 = arith.constant 0 : i32
      %dma_start3A_46 = arith.constant 0 : i32
      %dma_start3A_47 = tpu.memref_slice %arg7[%dma_start3A_45, %dma_start3A_46] : memref<40x128xi32, #tpu.memory_space<vmem>> -> memref<40x128xi32, #tpu.memory_space<vmem>>
      %dma_start3A_48 = arith.constant 0 : i32
      %dma_start3A_49 = arith.constant 0 : i32
      %dma_start3A_50 = tpu.memref_slice %arg3[%add3A, %dma_start3A_48, %dma_start3A_49] : memref<32x79x128xi32, #tpu.memory_space<hbm>> -> memref<1x79x128xi32, #tpu.memory_space<hbm>>
      %dma_start3A_51 = tpu.memref_squeeze %dma_start3A_50 : memref<1x79x128xi32, #tpu.memory_space<hbm>> -> memref<79x128xi32, #tpu.memory_space<hbm>>
      %dma_start3A_52 = arith.constant 0 : i32
      %dma_start3A_53 = arith.constant 0 : i32
      %dma_start3A_54 = tpu.memref_slice %dma_start3A_51[%dma_start3A_52, %dma_start3A_53] : memref<79x128xi32, #tpu.memory_space<hbm>> -> memref<40x128xi32, #tpu.memory_space<hbm>>
      tpu.enqueue_dma source(%dma_start3A_54 : memref<40x128xi32, #tpu.memory_space<hbm>>) target(%dma_start3A_47 : memref<40x128xi32, #tpu.memory_space<vmem>>) target_semaphore(%run_scoped3A_34 : memref<!tpu.dma_semaphore, #tpu.memory_space<semaphore_mem>>)
      %dma_wait3A_55 = arith.constant 0 : i32
      %dma_wait3A_56 = arith.constant 0 : i32
      %dma_wait3A_57 = tpu.memref_slice %arg7[%dma_wait3A_55, %dma_wait3A_56] : memref<40x128xi32, #tpu.memory_space<vmem>> -> memref<40x128xi32, #tpu.memory_space<vmem>>
      %dma_wait3A_58 = arith.constant 0 : i32
      %dma_wait3A_59 = arith.constant 0 : i32
      %dma_wait3A_60 = tpu.memref_slice %arg3[%add3A, %dma_wait3A_58, %dma_wait3A_59] : memref<32x79x128xi32, #tpu.memory_space<hbm>> -> memref<1x79x128xi32, #tpu.memory_space<hbm>>
      %dma_wait3A_61 = tpu.memref_squeeze %dma_wait3A_60 : memref<1x79x128xi32, #tpu.memory_space<hbm>> -> memref<79x128xi32, #tpu.memory_space<hbm>>
      %dma_wait3A_62 = arith.constant 0 : i32
      %dma_wait3A_63 = arith.constant 0 : i32
      %dma_wait3A_64 = tpu.memref_slice %dma_wait3A_61[%dma_wait3A_62, %dma_wait3A_63] : memref<79x128xi32, #tpu.memory_space<hbm>> -> memref<40x128xi32, #tpu.memory_space<hbm>>
      %dma_wait3A_65 = arith.constant 0 : i32
      %dma_wait3A_66 = arith.constant 0 : i32
      %dma_wait3A_67 = tpu.memref_slice %arg7[%dma_wait3A_65, %dma_wait3A_66] : memref<40x128xi32, #tpu.memory_space<vmem>> -> memref<40x128xi32, #tpu.memory_space<vmem>>
      %dma_wait3A_68 = arith.constant 0 : i32
      %dma_wait3A_69 = arith.constant 0 : i32
      %dma_wait3A_70 = tpu.memref_slice %arg3[%add3A, %dma_wait3A_68, %dma_wait3A_69] : memref<32x79x128xi32, #tpu.memory_space<hbm>> -> memref<1x79x128xi32, #tpu.memory_space<hbm>>
      %dma_wait3A_71 = tpu.memref_squeeze %dma_wait3A_70 : memref<1x79x128xi32, #tpu.memory_space<hbm>> -> memref<79x128xi32, #tpu.memory_space<hbm>>
      %dma_wait3A_72 = arith.constant 0 : i32
      %dma_wait3A_73 = arith.constant 0 : i32
      %dma_wait3A_74 = tpu.memref_slice %dma_wait3A_71[%dma_wait3A_72, %dma_wait3A_73] : memref<79x128xi32, #tpu.memory_space<hbm>> -> memref<40x128xi32, #tpu.memory_space<hbm>>
      tpu.wait_dma2 semaphore(%run_scoped3A_34 : memref<!tpu.dma_semaphore, #tpu.memory_space<semaphore_mem>>) src(%dma_wait3A_74 : memref<40x128xi32, #tpu.memory_space<hbm>>) dst(%dma_wait3A_67 : memref<40x128xi32, #tpu.memory_space<vmem>>)
      tpu.yield
    }) : () -> ()
    "tpu.region"() ({
      %run_scoped3A_34 = tpu.sem_alloc : memref<!tpu.dma_semaphore, #tpu.memory_space<semaphore_mem>>
      %dma_start3A_35 = arith.constant 0 : i32
      %dma_start3A_36 = arith.constant 0 : i32
      %dma_start3A_37 = tpu.memref_slice %arg8[%dma_start3A_35, %dma_start3A_36] : memref<40x128xi32, #tpu.memory_space<vmem>> -> memref<40x128xi32, #tpu.memory_space<vmem>>
      %dma_start3A_38 = arith.constant 0 : i32
      %dma_start3A_39 = arith.constant 0 : i32
      %dma_start3A_40 = tpu.memref_slice %arg4[%add3A, %dma_start3A_38, %dma_start3A_39] : memref<32x79x128xi32, #tpu.memory_space<hbm>> -> memref<1x79x128xi32, #tpu.memory_space<hbm>>
      %dma_start3A_41 = tpu.memref_squeeze %dma_start3A_40 : memref<1x79x128xi32, #tpu.memory_space<hbm>> -> memref<79x128xi32, #tpu.memory_space<hbm>>
      %dma_start3A_42 = arith.constant 0 : i32
      %dma_start3A_43 = arith.constant 0 : i32
      %dma_start3A_44 = tpu.memref_slice %dma_start3A_41[%dma_start3A_42, %dma_start3A_43] : memref<79x128xi32, #tpu.memory_space<hbm>> -> memref<40x128xi32, #tpu.memory_space<hbm>>
      %dma_start3A_45 = arith.constant 0 : i32
      %dma_start3A_46 = arith.constant 0 : i32
      %dma_start3A_47 = tpu.memref_slice %arg8[%dma_start3A_45, %dma_start3A_46] : memref<40x128xi32, #tpu.memory_space<vmem>> -> memref<40x128xi32, #tpu.memory_space<vmem>>
      %dma_start3A_48 = arith.constant 0 : i32
      %dma_start3A_49 = arith.constant 0 : i32
      %dma_start3A_50 = tpu.memref_slice %arg4[%add3A, %dma_start3A_48, %dma_start3A_49] : memref<32x79x128xi32, #tpu.memory_space<hbm>> -> memref<1x79x128xi32, #tpu.memory_space<hbm>>
      %dma_start3A_51 = tpu.memref_squeeze %dma_start3A_50 : memref<1x79x128xi32, #tpu.memory_space<hbm>> -> memref<79x128xi32, #tpu.memory_space<hbm>>
      %dma_start3A_52 = arith.constant 0 : i32
      %dma_start3A_53 = arith.constant 0 : i32
      %dma_start3A_54 = tpu.memref_slice %dma_start3A_51[%dma_start3A_52, %dma_start3A_53] : memref<79x128xi32, #tpu.memory_space<hbm>> -> memref<40x128xi32, #tpu.memory_space<hbm>>
      tpu.enqueue_dma source(%dma_start3A_54 : memref<40x128xi32, #tpu.memory_space<hbm>>) target(%dma_start3A_47 : memref<40x128xi32, #tpu.memory_space<vmem>>) target_semaphore(%run_scoped3A_34 : memref<!tpu.dma_semaphore, #tpu.memory_space<semaphore_mem>>)
      %dma_wait3A_55 = arith.constant 0 : i32
      %dma_wait3A_56 = arith.constant 0 : i32
      %dma_wait3A_57 = tpu.memref_slice %arg8[%dma_wait3A_55, %dma_wait3A_56] : memref<40x128xi32, #tpu.memory_space<vmem>> -> memref<40x128xi32, #tpu.memory_space<vmem>>
      %dma_wait3A_58 = arith.constant 0 : i32
      %dma_wait3A_59 = arith.constant 0 : i32
      %dma_wait3A_60 = tpu.memref_slice %arg4[%add3A, %dma_wait3A_58, %dma_wait3A_59] : memref<32x79x128xi32, #tpu.memory_space<hbm>> -> memref<1x79x128xi32, #tpu.memory_space<hbm>>
      %dma_wait3A_61 = tpu.memref_squeeze %dma_wait3A_60 : memref<1x79x128xi32, #tpu.memory_space<hbm>> -> memref<79x128xi32, #tpu.memory_space<hbm>>
      %dma_wait3A_62 = arith.constant 0 : i32
      %dma_wait3A_63 = arith.constant 0 : i32
      %dma_wait3A_64 = tpu.memref_slice %dma_wait3A_61[%dma_wait3A_62, %dma_wait3A_63] : memref<79x128xi32, #tpu.memory_space<hbm>> -> memref<40x128xi32, #tpu.memory_space<hbm>>
      %dma_wait3A_65 = arith.constant 0 : i32
      %dma_wait3A_66 = arith.constant 0 : i32
      %dma_wait3A_67 = tpu.memref_slice %arg8[%dma_wait3A_65, %dma_wait3A_66] : memref<40x128xi32, #tpu.memory_space<vmem>> -> memref<40x128xi32, #tpu.memory_space<vmem>>
      %dma_wait3A_68 = arith.constant 0 : i32
      %dma_wait3A_69 = arith.constant 0 : i32
      %dma_wait3A_70 = tpu.memref_slice %arg4[%add3A, %dma_wait3A_68, %dma_wait3A_69] : memref<32x79x128xi32, #tpu.memory_space<hbm>> -> memref<1x79x128xi32, #tpu.memory_space<hbm>>
      %dma_wait3A_71 = tpu.memref_squeeze %dma_wait3A_70 : memref<1x79x128xi32, #tpu.memory_space<hbm>> -> memref<79x128xi32, #tpu.memory_space<hbm>>
      %dma_wait3A_72 = arith.constant 0 : i32
      %dma_wait3A_73 = arith.constant 0 : i32
      %dma_wait3A_74 = tpu.memref_slice %dma_wait3A_71[%dma_wait3A_72, %dma_wait3A_73] : memref<79x128xi32, #tpu.memory_space<hbm>> -> memref<40x128xi32, #tpu.memory_space<hbm>>
      tpu.wait_dma2 semaphore(%run_scoped3A_34 : memref<!tpu.dma_semaphore, #tpu.memory_space<semaphore_mem>>) src(%dma_wait3A_74 : memref<40x128xi32, #tpu.memory_space<hbm>>) dst(%dma_wait3A_67 : memref<40x128xi32, #tpu.memory_space<vmem>>)
      tpu.yield
    }) : () -> ()
    %barrier3A = arith.constant 0 : index
    tpu.barrier barrier_id(%barrier3A)
    %dma_start3A = arith.constant 0 : i32
    %dma_start3A_3 = arith.constant 0 : i32
    %dma_start3A_4 = tpu.memref_slice %arg7[%dma_start3A, %dma_start3A_3] : memref<40x128xi32, #tpu.memory_space<vmem>> -> memref<1x128xi32, #tpu.memory_space<vmem>>
    %dma_start3A_5 = tpu.memref_squeeze %dma_start3A_4 : memref<1x128xi32, #tpu.memory_space<vmem>> -> memref<128xi32, #tpu.memory_space<vmem>>
    %dma_start3A_6 = arith.constant 0 : i32
    %dma_start3A_7 = arith.constant 0 : i32
    %dma_start3A_8 = tpu.memref_slice %arg2[%dma_start3A_6, %dma_start3A_7] : memref<10000x128xf32, #tpu.memory_space<hbm>> -> memref<10000x128xf32, #tpu.memory_space<hbm>>
    tpu.enqueue_indirect_dma source(%dma_start3A_8 : memref<10000x128xf32, #tpu.memory_space<hbm>>) target(%arg9 : memref<128x128xf32, #tpu.memory_space<vmem>>) offsets(%dma_start3A_5 : memref<128xi32, #tpu.memory_space<vmem>>) semaphore(%arg12 : memref<!tpu.dma_semaphore, #tpu.memory_space<semaphore_mem>>)
    %scan3A = arith.constant 0 : i32
    %scan3A_9 = arith.constant 0 : i32
    %scan3A_10 = arith.constant 20 : i32
    %scan3A_11 = arith.addi %scan3A_9, %scan3A_10 : i32
    %scan3A_12 = arith.constant 1 : i32
    scf.for %scan3A_34 = %scan3A_9 to %scan3A_11 step %scan3A_12  : i32 {
      %mul3A_35 = arith.constant 2 : i32
      %mul3A_36 = arith.muli %scan3A_34, %mul3A_35 : i32
      %add3A_37 = arith.constant 1 : i32
      %add3A_38 = arith.addi %mul3A_36, %add3A_37 : i32
      %dma_start3A_39 = arith.constant 0 : i32
      %dma_start3A_40 = tpu.memref_slice %arg7[%add3A_38, %dma_start3A_39] : memref<40x128xi32, #tpu.memory_space<vmem>> -> memref<1x128xi32, #tpu.memory_space<vmem>>
      %dma_start3A_41 = tpu.memref_squeeze %dma_start3A_40 : memref<1x128xi32, #tpu.memory_space<vmem>> -> memref<128xi32, #tpu.memory_space<vmem>>
      %dma_start3A_42 = arith.constant 0 : i32
      %dma_start3A_43 = arith.constant 0 : i32
      %dma_start3A_44 = tpu.memref_slice %arg2[%dma_start3A_42, %dma_start3A_43] : memref<10000x128xf32, #tpu.memory_space<hbm>> -> memref<10000x128xf32, #tpu.memory_space<hbm>>
      tpu.enqueue_indirect_dma source(%dma_start3A_44 : memref<10000x128xf32, #tpu.memory_space<hbm>>) target(%arg10 : memref<128x128xf32, #tpu.memory_space<vmem>>) offsets(%dma_start3A_41 : memref<128xi32, #tpu.memory_space<vmem>>) semaphore(%arg13 : memref<!tpu.dma_semaphore, #tpu.memory_space<semaphore_mem>>)
      %dma_wait3A_45 = arith.constant 0 : i32
      %dma_wait3A_46 = tpu.memref_slice %arg7[%mul3A_36, %dma_wait3A_45] : memref<40x128xi32, #tpu.memory_space<vmem>> -> memref<1x128xi32, #tpu.memory_space<vmem>>
      %dma_wait3A_47 = tpu.memref_squeeze %dma_wait3A_46 : memref<1x128xi32, #tpu.memory_space<vmem>> -> memref<128xi32, #tpu.memory_space<vmem>>
      %dma_wait3A_48 = arith.constant 0 : i32
      %dma_wait3A_49 = arith.constant 0 : i32
      %dma_wait3A_50 = tpu.memref_slice %arg2[%dma_wait3A_48, %dma_wait3A_49] : memref<10000x128xf32, #tpu.memory_space<hbm>> -> memref<10000x128xf32, #tpu.memory_space<hbm>>
      tpu.wait_indirect_dma semaphore(%arg12 : memref<!tpu.dma_semaphore, #tpu.memory_space<semaphore_mem>>) src(%dma_wait3A_50 : memref<10000x128xf32, #tpu.memory_space<hbm>>) dst(%arg9 : memref<128x128xf32, #tpu.memory_space<vmem>>)
      "tpu.region"() ({
        %run_scoped3A_63 = tpu.sem_alloc : memref<!tpu.dma_semaphore, #tpu.memory_space<semaphore_mem>>
        %dma_start3A_64 = arith.constant 0 : i32
        %dma_start3A_65 = tpu.memref_slice %arg8[%mul3A_36, %dma_start3A_64] : memref<40x128xi32, #tpu.memory_space<vmem>> -> memref<1x128xi32, #tpu.memory_space<vmem>>
        %dma_start3A_66 = tpu.memref_squeeze %dma_start3A_65 : memref<1x128xi32, #tpu.memory_space<vmem>> -> memref<128xi32, #tpu.memory_space<vmem>>
        %dma_start3A_67 = arith.constant 0 : i32
        %dma_start3A_68 = arith.constant 0 : i32
        %dma_start3A_69 = tpu.memref_slice %arg11[%dma_start3A_67, %dma_start3A_68] : memref<10112x128xf32, #tpu.memory_space<vmem_shared>> -> memref<10112x128xf32, #tpu.memory_space<vmem_shared>>
        tpu.enqueue_indirect_dma source(%arg9 : memref<128x128xf32, #tpu.memory_space<vmem>>) target(%dma_start3A_69 : memref<10112x128xf32, #tpu.memory_space<vmem_shared>>) offsets(%dma_start3A_66 : memref<128xi32, #tpu.memory_space<vmem>>) semaphore(%run_scoped3A_63 : memref<!tpu.dma_semaphore, #tpu.memory_space<semaphore_mem>>) {add = true}
        %dma_wait3A_70 = arith.constant 0 : i32
        %dma_wait3A_71 = tpu.memref_slice %arg8[%mul3A_36, %dma_wait3A_70] : memref<40x128xi32, #tpu.memory_space<vmem>> -> memref<1x128xi32, #tpu.memory_space<vmem>>
        %dma_wait3A_72 = tpu.memref_squeeze %dma_wait3A_71 : memref<1x128xi32, #tpu.memory_space<vmem>> -> memref<128xi32, #tpu.memory_space<vmem>>
        %dma_wait3A_73 = arith.constant 0 : i32
        %dma_wait3A_74 = arith.constant 0 : i32
        %dma_wait3A_75 = tpu.memref_slice %arg11[%dma_wait3A_73, %dma_wait3A_74] : memref<10112x128xf32, #tpu.memory_space<vmem_shared>> -> memref<10112x128xf32, #tpu.memory_space<vmem_shared>>
        tpu.wait_indirect_dma semaphore(%run_scoped3A_63 : memref<!tpu.dma_semaphore, #tpu.memory_space<semaphore_mem>>) src(%arg9 : memref<128x128xf32, #tpu.memory_space<vmem>>) dst(%dma_wait3A_75 : memref<10112x128xf32, #tpu.memory_space<vmem_shared>>)
        tpu.yield
      }) : () -> ()
      %lt3A = arith.constant 19 : i32
      %lt3A_51 = arith.cmpi slt, %scan3A_34, %lt3A : i32
      %convert_element_type3A = arith.extui %lt3A_51 : i1 to i32
      %cond3A = arith.constant 0 : i32
      %cond3A_52 = arith.cmpi ne, %convert_element_type3A, %cond3A : i32
      scf.if %cond3A_52 {
        %add3A_63 = arith.constant 2 : i32
        %add3A_64 = arith.addi %mul3A_36, %add3A_63 : i32
        %dma_start3A_65 = arith.constant 0 : i32
        %dma_start3A_66 = tpu.memref_slice %arg7[%add3A_64, %dma_start3A_65] : memref<40x128xi32, #tpu.memory_space<vmem>> -> memref<1x128xi32, #tpu.memory_space<vmem>>
        %dma_start3A_67 = tpu.memref_squeeze %dma_start3A_66 : memref<1x128xi32, #tpu.memory_space<vmem>> -> memref<128xi32, #tpu.memory_space<vmem>>
        %dma_start3A_68 = arith.constant 0 : i32
        %dma_start3A_69 = arith.constant 0 : i32
        %dma_start3A_70 = tpu.memref_slice %arg2[%dma_start3A_68, %dma_start3A_69] : memref<10000x128xf32, #tpu.memory_space<hbm>> -> memref<10000x128xf32, #tpu.memory_space<hbm>>
        tpu.enqueue_indirect_dma source(%dma_start3A_70 : memref<10000x128xf32, #tpu.memory_space<hbm>>) target(%arg9 : memref<128x128xf32, #tpu.memory_space<vmem>>) offsets(%dma_start3A_67 : memref<128xi32, #tpu.memory_space<vmem>>) semaphore(%arg12 : memref<!tpu.dma_semaphore, #tpu.memory_space<semaphore_mem>>)
      } else {
      }
      %add3A_53 = arith.constant 1 : i32
      %add3A_54 = arith.addi %mul3A_36, %add3A_53 : i32
      %dma_wait3A_55 = arith.constant 0 : i32
      %dma_wait3A_56 = tpu.memref_slice %arg7[%add3A_54, %dma_wait3A_55] : memref<40x128xi32, #tpu.memory_space<vmem>> -> memref<1x128xi32, #tpu.memory_space<vmem>>
      %dma_wait3A_57 = tpu.memref_squeeze %dma_wait3A_56 : memref<1x128xi32, #tpu.memory_space<vmem>> -> memref<128xi32, #tpu.memory_space<vmem>>
      %dma_wait3A_58 = arith.constant 0 : i32
      %dma_wait3A_59 = arith.constant 0 : i32
      %dma_wait3A_60 = tpu.memref_slice %arg2[%dma_wait3A_58, %dma_wait3A_59] : memref<10000x128xf32, #tpu.memory_space<hbm>> -> memref<10000x128xf32, #tpu.memory_space<hbm>>
      tpu.wait_indirect_dma semaphore(%arg13 : memref<!tpu.dma_semaphore, #tpu.memory_space<semaphore_mem>>) src(%dma_wait3A_60 : memref<10000x128xf32, #tpu.memory_space<hbm>>) dst(%arg10 : memref<128x128xf32, #tpu.memory_space<vmem>>)
      %add3A_61 = arith.constant 1 : i32
      %add3A_62 = arith.addi %mul3A_36, %add3A_61 : i32
      "tpu.region"() ({
        %run_scoped3A_63 = tpu.sem_alloc : memref<!tpu.dma_semaphore, #tpu.memory_space<semaphore_mem>>
        %dma_start3A_64 = arith.constant 0 : i32
        %dma_start3A_65 = tpu.memref_slice %arg8[%add3A_62, %dma_start3A_64] : memref<40x128xi32, #tpu.memory_space<vmem>> -> memref<1x128xi32, #tpu.memory_space<vmem>>
        %dma_start3A_66 = tpu.memref_squeeze %dma_start3A_65 : memref<1x128xi32, #tpu.memory_space<vmem>> -> memref<128xi32, #tpu.memory_space<vmem>>
        %dma_start3A_67 = arith.constant 0 : i32
        %dma_start3A_68 = arith.constant 0 : i32
        %dma_start3A_69 = tpu.memref_slice %arg11[%dma_start3A_67, %dma_start3A_68] : memref<10112x128xf32, #tpu.memory_space<vmem_shared>> -> memref<10112x128xf32, #tpu.memory_space<vmem_shared>>
        tpu.enqueue_indirect_dma source(%arg10 : memref<128x128xf32, #tpu.memory_space<vmem>>) target(%dma_start3A_69 : memref<10112x128xf32, #tpu.memory_space<vmem_shared>>) offsets(%dma_start3A_66 : memref<128xi32, #tpu.memory_space<vmem>>) semaphore(%run_scoped3A_63 : memref<!tpu.dma_semaphore, #tpu.memory_space<semaphore_mem>>) {add = true}
        %dma_wait3A_70 = arith.constant 0 : i32
        %dma_wait3A_71 = tpu.memref_slice %arg8[%add3A_62, %dma_wait3A_70] : memref<40x128xi32, #tpu.memory_space<vmem>> -> memref<1x128xi32, #tpu.memory_space<vmem>>
        %dma_wait3A_72 = tpu.memref_squeeze %dma_wait3A_71 : memref<1x128xi32, #tpu.memory_space<vmem>> -> memref<128xi32, #tpu.memory_space<vmem>>
        %dma_wait3A_73 = arith.constant 0 : i32
        %dma_wait3A_74 = arith.constant 0 : i32
        %dma_wait3A_75 = tpu.memref_slice %arg11[%dma_wait3A_73, %dma_wait3A_74] : memref<10112x128xf32, #tpu.memory_space<vmem_shared>> -> memref<10112x128xf32, #tpu.memory_space<vmem_shared>>
        tpu.wait_indirect_dma semaphore(%run_scoped3A_63 : memref<!tpu.dma_semaphore, #tpu.memory_space<semaphore_mem>>) src(%arg10 : memref<128x128xf32, #tpu.memory_space<vmem>>) dst(%dma_wait3A_75 : memref<10112x128xf32, #tpu.memory_space<vmem_shared>>)
        tpu.yield
      }) : () -> ()
    }
    %scan3A_13 = arith.constant 20 : i32
    "tpu.region"() ({
      %run_scoped3A_34 = tpu.sem_alloc : memref<!tpu.dma_semaphore, #tpu.memory_space<semaphore_mem>>
      %dma_start3A_35 = arith.constant 0 : i32
      %dma_start3A_36 = arith.constant 0 : i32
      %dma_start3A_37 = tpu.memref_slice %arg7[%dma_start3A_35, %dma_start3A_36] : memref<40x128xi32, #tpu.memory_space<vmem>> -> memref<39x128xi32, #tpu.memory_space<vmem>>
      %dma_start3A_38 = arith.constant 0 : i32
      %dma_start3A_39 = arith.constant 0 : i32
      %dma_start3A_40 = tpu.memref_slice %arg3[%add3A, %dma_start3A_38, %dma_start3A_39] : memref<32x79x128xi32, #tpu.memory_space<hbm>> -> memref<1x79x128xi32, #tpu.memory_space<hbm>>
      %dma_start3A_41 = tpu.memref_squeeze %dma_start3A_40 : memref<1x79x128xi32, #tpu.memory_space<hbm>> -> memref<79x128xi32, #tpu.memory_space<hbm>>
      %dma_start3A_42 = arith.constant 40 : i32
      %dma_start3A_43 = arith.constant 0 : i32
      %dma_start3A_44 = tpu.memref_slice %dma_start3A_41[%dma_start3A_42, %dma_start3A_43] : memref<79x128xi32, #tpu.memory_space<hbm>> -> memref<39x128xi32, #tpu.memory_space<hbm>>
      %dma_start3A_45 = arith.constant 0 : i32
      %dma_start3A_46 = arith.constant 0 : i32
      %dma_start3A_47 = tpu.memref_slice %arg7[%dma_start3A_45, %dma_start3A_46] : memref<40x128xi32, #tpu.memory_space<vmem>> -> memref<39x128xi32, #tpu.memory_space<vmem>>
      %dma_start3A_48 = arith.constant 0 : i32
      %dma_start3A_49 = arith.constant 0 : i32
      %dma_start3A_50 = tpu.memref_slice %arg3[%add3A, %dma_start3A_48, %dma_start3A_49] : memref<32x79x128xi32, #tpu.memory_space<hbm>> -> memref<1x79x128xi32, #tpu.memory_space<hbm>>
      %dma_start3A_51 = tpu.memref_squeeze %dma_start3A_50 : memref<1x79x128xi32, #tpu.memory_space<hbm>> -> memref<79x128xi32, #tpu.memory_space<hbm>>
      %dma_start3A_52 = arith.constant 40 : i32
      %dma_start3A_53 = arith.constant 0 : i32
      %dma_start3A_54 = tpu.memref_slice %dma_start3A_51[%dma_start3A_52, %dma_start3A_53] : memref<79x128xi32, #tpu.memory_space<hbm>> -> memref<39x128xi32, #tpu.memory_space<hbm>>
      tpu.enqueue_dma source(%dma_start3A_54 : memref<39x128xi32, #tpu.memory_space<hbm>>) target(%dma_start3A_47 : memref<39x128xi32, #tpu.memory_space<vmem>>) target_semaphore(%run_scoped3A_34 : memref<!tpu.dma_semaphore, #tpu.memory_space<semaphore_mem>>)
      %dma_wait3A_55 = arith.constant 0 : i32
      %dma_wait3A_56 = arith.constant 0 : i32
      %dma_wait3A_57 = tpu.memref_slice %arg7[%dma_wait3A_55, %dma_wait3A_56] : memref<40x128xi32, #tpu.memory_space<vmem>> -> memref<39x128xi32, #tpu.memory_space<vmem>>
      %dma_wait3A_58 = arith.constant 0 : i32
      %dma_wait3A_59 = arith.constant 0 : i32
      %dma_wait3A_60 = tpu.memref_slice %arg3[%add3A, %dma_wait3A_58, %dma_wait3A_59] : memref<32x79x128xi32, #tpu.memory_space<hbm>> -> memref<1x79x128xi32, #tpu.memory_space<hbm>>
      %dma_wait3A_61 = tpu.memref_squeeze %dma_wait3A_60 : memref<1x79x128xi32, #tpu.memory_space<hbm>> -> memref<79x128xi32, #tpu.memory_space<hbm>>
      %dma_wait3A_62 = arith.constant 40 : i32
      %dma_wait3A_63 = arith.constant 0 : i32
      %dma_wait3A_64 = tpu.memref_slice %dma_wait3A_61[%dma_wait3A_62, %dma_wait3A_63] : memref<79x128xi32, #tpu.memory_space<hbm>> -> memref<39x128xi32, #tpu.memory_space<hbm>>
      %dma_wait3A_65 = arith.constant 0 : i32
      %dma_wait3A_66 = arith.constant 0 : i32
      %dma_wait3A_67 = tpu.memref_slice %arg7[%dma_wait3A_65, %dma_wait3A_66] : memref<40x128xi32, #tpu.memory_space<vmem>> -> memref<39x128xi32, #tpu.memory_space<vmem>>
      %dma_wait3A_68 = arith.constant 0 : i32
      %dma_wait3A_69 = arith.constant 0 : i32
      %dma_wait3A_70 = tpu.memref_slice %arg3[%add3A, %dma_wait3A_68, %dma_wait3A_69] : memref<32x79x128xi32, #tpu.memory_space<hbm>> -> memref<1x79x128xi32, #tpu.memory_space<hbm>>
      %dma_wait3A_71 = tpu.memref_squeeze %dma_wait3A_70 : memref<1x79x128xi32, #tpu.memory_space<hbm>> -> memref<79x128xi32, #tpu.memory_space<hbm>>
      %dma_wait3A_72 = arith.constant 40 : i32
      %dma_wait3A_73 = arith.constant 0 : i32
      %dma_wait3A_74 = tpu.memref_slice %dma_wait3A_71[%dma_wait3A_72, %dma_wait3A_73] : memref<79x128xi32, #tpu.memory_space<hbm>> -> memref<39x128xi32, #tpu.memory_space<hbm>>
      tpu.wait_dma2 semaphore(%run_scoped3A_34 : memref<!tpu.dma_semaphore, #tpu.memory_space<semaphore_mem>>) src(%dma_wait3A_74 : memref<39x128xi32, #tpu.memory_space<hbm>>) dst(%dma_wait3A_67 : memref<39x128xi32, #tpu.memory_space<vmem>>)
      tpu.yield
    }) : () -> ()
    "tpu.region"() ({
      %run_scoped3A_34 = tpu.sem_alloc : memref<!tpu.dma_semaphore, #tpu.memory_space<semaphore_mem>>
      %dma_start3A_35 = arith.constant 0 : i32
      %dma_start3A_36 = arith.constant 0 : i32
      %dma_start3A_37 = tpu.memref_slice %arg8[%dma_start3A_35, %dma_start3A_36] : memref<40x128xi32, #tpu.memory_space<vmem>> -> memref<39x128xi32, #tpu.memory_space<vmem>>
      %dma_start3A_38 = arith.constant 0 : i32
      %dma_start3A_39 = arith.constant 0 : i32
      %dma_start3A_40 = tpu.memref_slice %arg4[%add3A, %dma_start3A_38, %dma_start3A_39] : memref<32x79x128xi32, #tpu.memory_space<hbm>> -> memref<1x79x128xi32, #tpu.memory_space<hbm>>
      %dma_start3A_41 = tpu.memref_squeeze %dma_start3A_40 : memref<1x79x128xi32, #tpu.memory_space<hbm>> -> memref<79x128xi32, #tpu.memory_space<hbm>>
      %dma_start3A_42 = arith.constant 40 : i32
      %dma_start3A_43 = arith.constant 0 : i32
      %dma_start3A_44 = tpu.memref_slice %dma_start3A_41[%dma_start3A_42, %dma_start3A_43] : memref<79x128xi32, #tpu.memory_space<hbm>> -> memref<39x128xi32, #tpu.memory_space<hbm>>
      %dma_start3A_45 = arith.constant 0 : i32
      %dma_start3A_46 = arith.constant 0 : i32
      %dma_start3A_47 = tpu.memref_slice %arg8[%dma_start3A_45, %dma_start3A_46] : memref<40x128xi32, #tpu.memory_space<vmem>> -> memref<39x128xi32, #tpu.memory_space<vmem>>
      %dma_start3A_48 = arith.constant 0 : i32
      %dma_start3A_49 = arith.constant 0 : i32
      %dma_start3A_50 = tpu.memref_slice %arg4[%add3A, %dma_start3A_48, %dma_start3A_49] : memref<32x79x128xi32, #tpu.memory_space<hbm>> -> memref<1x79x128xi32, #tpu.memory_space<hbm>>
      %dma_start3A_51 = tpu.memref_squeeze %dma_start3A_50 : memref<1x79x128xi32, #tpu.memory_space<hbm>> -> memref<79x128xi32, #tpu.memory_space<hbm>>
      %dma_start3A_52 = arith.constant 40 : i32
      %dma_start3A_53 = arith.constant 0 : i32
      %dma_start3A_54 = tpu.memref_slice %dma_start3A_51[%dma_start3A_52, %dma_start3A_53] : memref<79x128xi32, #tpu.memory_space<hbm>> -> memref<39x128xi32, #tpu.memory_space<hbm>>
      tpu.enqueue_dma source(%dma_start3A_54 : memref<39x128xi32, #tpu.memory_space<hbm>>) target(%dma_start3A_47 : memref<39x128xi32, #tpu.memory_space<vmem>>) target_semaphore(%run_scoped3A_34 : memref<!tpu.dma_semaphore, #tpu.memory_space<semaphore_mem>>)
      %dma_wait3A_55 = arith.constant 0 : i32
      %dma_wait3A_56 = arith.constant 0 : i32
      %dma_wait3A_57 = tpu.memref_slice %arg8[%dma_wait3A_55, %dma_wait3A_56] : memref<40x128xi32, #tpu.memory_space<vmem>> -> memref<39x128xi32, #tpu.memory_space<vmem>>
      %dma_wait3A_58 = arith.constant 0 : i32
      %dma_wait3A_59 = arith.constant 0 : i32
      %dma_wait3A_60 = tpu.memref_slice %arg4[%add3A, %dma_wait3A_58, %dma_wait3A_59] : memref<32x79x128xi32, #tpu.memory_space<hbm>> -> memref<1x79x128xi32, #tpu.memory_space<hbm>>
      %dma_wait3A_61 = tpu.memref_squeeze %dma_wait3A_60 : memref<1x79x128xi32, #tpu.memory_space<hbm>> -> memref<79x128xi32, #tpu.memory_space<hbm>>
      %dma_wait3A_62 = arith.constant 40 : i32
      %dma_wait3A_63 = arith.constant 0 : i32
      %dma_wait3A_64 = tpu.memref_slice %dma_wait3A_61[%dma_wait3A_62, %dma_wait3A_63] : memref<79x128xi32, #tpu.memory_space<hbm>> -> memref<39x128xi32, #tpu.memory_space<hbm>>
      %dma_wait3A_65 = arith.constant 0 : i32
      %dma_wait3A_66 = arith.constant 0 : i32
      %dma_wait3A_67 = tpu.memref_slice %arg8[%dma_wait3A_65, %dma_wait3A_66] : memref<40x128xi32, #tpu.memory_space<vmem>> -> memref<39x128xi32, #tpu.memory_space<vmem>>
      %dma_wait3A_68 = arith.constant 0 : i32
      %dma_wait3A_69 = arith.constant 0 : i32
      %dma_wait3A_70 = tpu.memref_slice %arg4[%add3A, %dma_wait3A_68, %dma_wait3A_69] : memref<32x79x128xi32, #tpu.memory_space<hbm>> -> memref<1x79x128xi32, #tpu.memory_space<hbm>>
      %dma_wait3A_71 = tpu.memref_squeeze %dma_wait3A_70 : memref<1x79x128xi32, #tpu.memory_space<hbm>> -> memref<79x128xi32, #tpu.memory_space<hbm>>
      %dma_wait3A_72 = arith.constant 40 : i32
      %dma_wait3A_73 = arith.constant 0 : i32
      %dma_wait3A_74 = tpu.memref_slice %dma_wait3A_71[%dma_wait3A_72, %dma_wait3A_73] : memref<79x128xi32, #tpu.memory_space<hbm>> -> memref<39x128xi32, #tpu.memory_space<hbm>>
      tpu.wait_dma2 semaphore(%run_scoped3A_34 : memref<!tpu.dma_semaphore, #tpu.memory_space<semaphore_mem>>) src(%dma_wait3A_74 : memref<39x128xi32, #tpu.memory_space<hbm>>) dst(%dma_wait3A_67 : memref<39x128xi32, #tpu.memory_space<vmem>>)
      tpu.yield
    }) : () -> ()
    %dma_start3A_14 = arith.constant 0 : i32
    %dma_start3A_15 = arith.constant 0 : i32
    %dma_start3A_16 = tpu.memref_slice %arg7[%dma_start3A_14, %dma_start3A_15] : memref<40x128xi32, #tpu.memory_space<vmem>> -> memref<1x128xi32, #tpu.memory_space<vmem>>
    %dma_start3A_17 = tpu.memref_squeeze %dma_start3A_16 : memref<1x128xi32, #tpu.memory_space<vmem>> -> memref<128xi32, #tpu.memory_space<vmem>>
    %dma_start3A_18 = arith.constant 0 : i32
    %dma_start3A_19 = arith.constant 0 : i32
    %dma_start3A_20 = tpu.memref_slice %arg2[%dma_start3A_18, %dma_start3A_19] : memref<10000x128xf32, #tpu.memory_space<hbm>> -> memref<10000x128xf32, #tpu.memory_space<hbm>>
    tpu.enqueue_indirect_dma source(%dma_start3A_20 : memref<10000x128xf32, #tpu.memory_space<hbm>>) target(%arg9 : memref<128x128xf32, #tpu.memory_space<vmem>>) offsets(%dma_start3A_17 : memref<128xi32, #tpu.memory_space<vmem>>) semaphore(%arg12 : memref<!tpu.dma_semaphore, #tpu.memory_space<semaphore_mem>>)
    %scan3A_21 = arith.constant 0 : i32
    %scan3A_22 = arith.constant 0 : i32
    %scan3A_23 = arith.constant 19 : i32
    %scan3A_24 = arith.addi %scan3A_22, %scan3A_23 : i32
    %scan3A_25 = arith.constant 1 : i32
    scf.for %scan3A_34 = %scan3A_22 to %scan3A_24 step %scan3A_25  : i32 {
      %mul3A_35 = arith.constant 2 : i32
      %mul3A_36 = arith.muli %scan3A_34, %mul3A_35 : i32
      %add3A_37 = arith.constant 1 : i32
      %add3A_38 = arith.addi %mul3A_36, %add3A_37 : i32
      %dma_start3A_39 = arith.constant 0 : i32
      %dma_start3A_40 = tpu.memref_slice %arg7[%add3A_38, %dma_start3A_39] : memref<40x128xi32, #tpu.memory_space<vmem>> -> memref<1x128xi32, #tpu.memory_space<vmem>>
      %dma_start3A_41 = tpu.memref_squeeze %dma_start3A_40 : memref<1x128xi32, #tpu.memory_space<vmem>> -> memref<128xi32, #tpu.memory_space<vmem>>
      %dma_start3A_42 = arith.constant 0 : i32
      %dma_start3A_43 = arith.constant 0 : i32
      %dma_start3A_44 = tpu.memref_slice %arg2[%dma_start3A_42, %dma_start3A_43] : memref<10000x128xf32, #tpu.memory_space<hbm>> -> memref<10000x128xf32, #tpu.memory_space<hbm>>
      tpu.enqueue_indirect_dma source(%dma_start3A_44 : memref<10000x128xf32, #tpu.memory_space<hbm>>) target(%arg10 : memref<128x128xf32, #tpu.memory_space<vmem>>) offsets(%dma_start3A_41 : memref<128xi32, #tpu.memory_space<vmem>>) semaphore(%arg13 : memref<!tpu.dma_semaphore, #tpu.memory_space<semaphore_mem>>)
      %dma_wait3A_45 = arith.constant 0 : i32
      %dma_wait3A_46 = tpu.memref_slice %arg7[%mul3A_36, %dma_wait3A_45] : memref<40x128xi32, #tpu.memory_space<vmem>> -> memref<1x128xi32, #tpu.memory_space<vmem>>
      %dma_wait3A_47 = tpu.memref_squeeze %dma_wait3A_46 : memref<1x128xi32, #tpu.memory_space<vmem>> -> memref<128xi32, #tpu.memory_space<vmem>>
      %dma_wait3A_48 = arith.constant 0 : i32
      %dma_wait3A_49 = arith.constant 0 : i32
      %dma_wait3A_50 = tpu.memref_slice %arg2[%dma_wait3A_48, %dma_wait3A_49] : memref<10000x128xf32, #tpu.memory_space<hbm>> -> memref<10000x128xf32, #tpu.memory_space<hbm>>
      tpu.wait_indirect_dma semaphore(%arg12 : memref<!tpu.dma_semaphore, #tpu.memory_space<semaphore_mem>>) src(%dma_wait3A_50 : memref<10000x128xf32, #tpu.memory_space<hbm>>) dst(%arg9 : memref<128x128xf32, #tpu.memory_space<vmem>>)
      "tpu.region"() ({
        %run_scoped3A_69 = tpu.sem_alloc : memref<!tpu.dma_semaphore, #tpu.memory_space<semaphore_mem>>
        %dma_start3A_70 = arith.constant 0 : i32
        %dma_start3A_71 = tpu.memref_slice %arg8[%mul3A_36, %dma_start3A_70] : memref<40x128xi32, #tpu.memory_space<vmem>> -> memref<1x128xi32, #tpu.memory_space<vmem>>
        %dma_start3A_72 = tpu.memref_squeeze %dma_start3A_71 : memref<1x128xi32, #tpu.memory_space<vmem>> -> memref<128xi32, #tpu.memory_space<vmem>>
        %dma_start3A_73 = arith.constant 0 : i32
        %dma_start3A_74 = arith.constant 0 : i32
        %dma_start3A_75 = tpu.memref_slice %arg11[%dma_start3A_73, %dma_start3A_74] : memref<10112x128xf32, #tpu.memory_space<vmem_shared>> -> memref<10112x128xf32, #tpu.memory_space<vmem_shared>>
        tpu.enqueue_indirect_dma source(%arg9 : memref<128x128xf32, #tpu.memory_space<vmem>>) target(%dma_start3A_75 : memref<10112x128xf32, #tpu.memory_space<vmem_shared>>) offsets(%dma_start3A_72 : memref<128xi32, #tpu.memory_space<vmem>>) semaphore(%run_scoped3A_69 : memref<!tpu.dma_semaphore, #tpu.memory_space<semaphore_mem>>) {add = true}
        %dma_wait3A_76 = arith.constant 0 : i32
        %dma_wait3A_77 = tpu.memref_slice %arg8[%mul3A_36, %dma_wait3A_76] : memref<40x128xi32, #tpu.memory_space<vmem>> -> memref<1x128xi32, #tpu.memory_space<vmem>>
        %dma_wait3A_78 = tpu.memref_squeeze %dma_wait3A_77 : memref<1x128xi32, #tpu.memory_space<vmem>> -> memref<128xi32, #tpu.memory_space<vmem>>
        %dma_wait3A_79 = arith.constant 0 : i32
        %dma_wait3A_80 = arith.constant 0 : i32
        %dma_wait3A_81 = tpu.memref_slice %arg11[%dma_wait3A_79, %dma_wait3A_80] : memref<10112x128xf32, #tpu.memory_space<vmem_shared>> -> memref<10112x128xf32, #tpu.memory_space<vmem_shared>>
        tpu.wait_indirect_dma semaphore(%run_scoped3A_69 : memref<!tpu.dma_semaphore, #tpu.memory_space<semaphore_mem>>) src(%arg9 : memref<128x128xf32, #tpu.memory_space<vmem>>) dst(%dma_wait3A_81 : memref<10112x128xf32, #tpu.memory_space<vmem_shared>>)
        tpu.yield
      }) : () -> ()
      %add3A_51 = arith.constant 2 : i32
      %add3A_52 = arith.addi %mul3A_36, %add3A_51 : i32
      %dma_start3A_53 = arith.constant 0 : i32
      %dma_start3A_54 = tpu.memref_slice %arg7[%add3A_52, %dma_start3A_53] : memref<40x128xi32, #tpu.memory_space<vmem>> -> memref<1x128xi32, #tpu.memory_space<vmem>>
      %dma_start3A_55 = tpu.memref_squeeze %dma_start3A_54 : memref<1x128xi32, #tpu.memory_space<vmem>> -> memref<128xi32, #tpu.memory_space<vmem>>
      %dma_start3A_56 = arith.constant 0 : i32
      %dma_start3A_57 = arith.constant 0 : i32
      %dma_start3A_58 = tpu.memref_slice %arg2[%dma_start3A_56, %dma_start3A_57] : memref<10000x128xf32, #tpu.memory_space<hbm>> -> memref<10000x128xf32, #tpu.memory_space<hbm>>
      tpu.enqueue_indirect_dma source(%dma_start3A_58 : memref<10000x128xf32, #tpu.memory_space<hbm>>) target(%arg9 : memref<128x128xf32, #tpu.memory_space<vmem>>) offsets(%dma_start3A_55 : memref<128xi32, #tpu.memory_space<vmem>>) semaphore(%arg12 : memref<!tpu.dma_semaphore, #tpu.memory_space<semaphore_mem>>)
      %add3A_59 = arith.constant 1 : i32
      %add3A_60 = arith.addi %mul3A_36, %add3A_59 : i32
      %dma_wait3A_61 = arith.constant 0 : i32
      %dma_wait3A_62 = tpu.memref_slice %arg7[%add3A_60, %dma_wait3A_61] : memref<40x128xi32, #tpu.memory_space<vmem>> -> memref<1x128xi32, #tpu.memory_space<vmem>>
      %dma_wait3A_63 = tpu.memref_squeeze %dma_wait3A_62 : memref<1x128xi32, #tpu.memory_space<vmem>> -> memref<128xi32, #tpu.memory_space<vmem>>
      %dma_wait3A_64 = arith.constant 0 : i32
      %dma_wait3A_65 = arith.constant 0 : i32
      %dma_wait3A_66 = tpu.memref_slice %arg2[%dma_wait3A_64, %dma_wait3A_65] : memref<10000x128xf32, #tpu.memory_space<hbm>> -> memref<10000x128xf32, #tpu.memory_space<hbm>>
      tpu.wait_indirect_dma semaphore(%arg13 : memref<!tpu.dma_semaphore, #tpu.memory_space<semaphore_mem>>) src(%dma_wait3A_66 : memref<10000x128xf32, #tpu.memory_space<hbm>>) dst(%arg10 : memref<128x128xf32, #tpu.memory_space<vmem>>)
      %add3A_67 = arith.constant 1 : i32
      %add3A_68 = arith.addi %mul3A_36, %add3A_67 : i32
      "tpu.region"() ({
        %run_scoped3A_69 = tpu.sem_alloc : memref<!tpu.dma_semaphore, #tpu.memory_space<semaphore_mem>>
        %dma_start3A_70 = arith.constant 0 : i32
        %dma_start3A_71 = tpu.memref_slice %arg8[%add3A_68, %dma_start3A_70] : memref<40x128xi32, #tpu.memory_space<vmem>> -> memref<1x128xi32, #tpu.memory_space<vmem>>
        %dma_start3A_72 = tpu.memref_squeeze %dma_start3A_71 : memref<1x128xi32, #tpu.memory_space<vmem>> -> memref<128xi32, #tpu.memory_space<vmem>>
        %dma_start3A_73 = arith.constant 0 : i32
        %dma_start3A_74 = arith.constant 0 : i32
        %dma_start3A_75 = tpu.memref_slice %arg11[%dma_start3A_73, %dma_start3A_74] : memref<10112x128xf32, #tpu.memory_space<vmem_shared>> -> memref<10112x128xf32, #tpu.memory_space<vmem_shared>>
        tpu.enqueue_indirect_dma source(%arg10 : memref<128x128xf32, #tpu.memory_space<vmem>>) target(%dma_start3A_75 : memref<10112x128xf32, #tpu.memory_space<vmem_shared>>) offsets(%dma_start3A_72 : memref<128xi32, #tpu.memory_space<vmem>>) semaphore(%run_scoped3A_69 : memref<!tpu.dma_semaphore, #tpu.memory_space<semaphore_mem>>) {add = true}
        %dma_wait3A_76 = arith.constant 0 : i32
        %dma_wait3A_77 = tpu.memref_slice %arg8[%add3A_68, %dma_wait3A_76] : memref<40x128xi32, #tpu.memory_space<vmem>> -> memref<1x128xi32, #tpu.memory_space<vmem>>
        %dma_wait3A_78 = tpu.memref_squeeze %dma_wait3A_77 : memref<1x128xi32, #tpu.memory_space<vmem>> -> memref<128xi32, #tpu.memory_space<vmem>>
        %dma_wait3A_79 = arith.constant 0 : i32
        %dma_wait3A_80 = arith.constant 0 : i32
        %dma_wait3A_81 = tpu.memref_slice %arg11[%dma_wait3A_79, %dma_wait3A_80] : memref<10112x128xf32, #tpu.memory_space<vmem_shared>> -> memref<10112x128xf32, #tpu.memory_space<vmem_shared>>
        tpu.wait_indirect_dma semaphore(%run_scoped3A_69 : memref<!tpu.dma_semaphore, #tpu.memory_space<semaphore_mem>>) src(%arg10 : memref<128x128xf32, #tpu.memory_space<vmem>>) dst(%dma_wait3A_81 : memref<10112x128xf32, #tpu.memory_space<vmem_shared>>)
        tpu.yield
      }) : () -> ()
    }
    %scan3A_26 = arith.constant 19 : i32
    %dma_wait3A = arith.constant 38 : i32
    %dma_wait3A_27 = arith.constant 0 : i32
    %dma_wait3A_28 = tpu.memref_slice %arg7[%dma_wait3A, %dma_wait3A_27] : memref<40x128xi32, #tpu.memory_space<vmem>> -> memref<1x128xi32, #tpu.memory_space<vmem>>
    %dma_wait3A_29 = tpu.memref_squeeze %dma_wait3A_28 : memref<1x128xi32, #tpu.memory_space<vmem>> -> memref<128xi32, #tpu.memory_space<vmem>>
    %dma_wait3A_30 = arith.constant 0 : i32
    %dma_wait3A_31 = arith.constant 0 : i32
    %dma_wait3A_32 = tpu.memref_slice %arg2[%dma_wait3A_30, %dma_wait3A_31] : memref<10000x128xf32, #tpu.memory_space<hbm>> -> memref<10000x128xf32, #tpu.memory_space<hbm>>
    tpu.wait_indirect_dma semaphore(%arg12 : memref<!tpu.dma_semaphore, #tpu.memory_space<semaphore_mem>>) src(%dma_wait3A_32 : memref<10000x128xf32, #tpu.memory_space<hbm>>) dst(%arg9 : memref<128x128xf32, #tpu.memory_space<vmem>>)
    %run_scoped3A = arith.constant 38 : i32
    "tpu.region"() ({
      %run_scoped3A_34 = tpu.sem_alloc : memref<!tpu.dma_semaphore, #tpu.memory_space<semaphore_mem>>
      %dma_start3A_35 = arith.constant 0 : i32
      %dma_start3A_36 = tpu.memref_slice %arg8[%run_scoped3A, %dma_start3A_35] : memref<40x128xi32, #tpu.memory_space<vmem>> -> memref<1x128xi32, #tpu.memory_space<vmem>>
      %dma_start3A_37 = tpu.memref_squeeze %dma_start3A_36 : memref<1x128xi32, #tpu.memory_space<vmem>> -> memref<128xi32, #tpu.memory_space<vmem>>
      %dma_start3A_38 = arith.constant 0 : i32
      %dma_start3A_39 = arith.constant 0 : i32
      %dma_start3A_40 = tpu.memref_slice %arg11[%dma_start3A_38, %dma_start3A_39] : memref<10112x128xf32, #tpu.memory_space<vmem_shared>> -> memref<10112x128xf32, #tpu.memory_space<vmem_shared>>
      tpu.enqueue_indirect_dma source(%arg9 : memref<128x128xf32, #tpu.memory_space<vmem>>) target(%dma_start3A_40 : memref<10112x128xf32, #tpu.memory_space<vmem_shared>>) offsets(%dma_start3A_37 : memref<128xi32, #tpu.memory_space<vmem>>) semaphore(%run_scoped3A_34 : memref<!tpu.dma_semaphore, #tpu.memory_space<semaphore_mem>>) {add = true}
      %dma_wait3A_41 = arith.constant 0 : i32
      %dma_wait3A_42 = tpu.memref_slice %arg8[%run_scoped3A, %dma_wait3A_41] : memref<40x128xi32, #tpu.memory_space<vmem>> -> memref<1x128xi32, #tpu.memory_space<vmem>>
      %dma_wait3A_43 = tpu.memref_squeeze %dma_wait3A_42 : memref<1x128xi32, #tpu.memory_space<vmem>> -> memref<128xi32, #tpu.memory_space<vmem>>
      %dma_wait3A_44 = arith.constant 0 : i32
      %dma_wait3A_45 = arith.constant 0 : i32
      %dma_wait3A_46 = tpu.memref_slice %arg11[%dma_wait3A_44, %dma_wait3A_45] : memref<10112x128xf32, #tpu.memory_space<vmem_shared>> -> memref<10112x128xf32, #tpu.memory_space<vmem_shared>>
      tpu.wait_indirect_dma semaphore(%run_scoped3A_34 : memref<!tpu.dma_semaphore, #tpu.memory_space<semaphore_mem>>) src(%arg9 : memref<128x128xf32, #tpu.memory_space<vmem>>) dst(%dma_wait3A_46 : memref<10112x128xf32, #tpu.memory_space<vmem_shared>>)
      tpu.yield
    }) : () -> ()
    %barrier3A_33 = arith.constant 0 : index
    tpu.barrier barrier_id(%barrier3A_33)
    "tpu.region"() ({
      %run_scoped3A_34 = tpu.sem_alloc : memref<!tpu.dma_semaphore, #tpu.memory_space<semaphore_mem>>
      %dma_start3A_35 = arith.constant 0 : i32
      %dma_start3A_36 = arith.constant 0 : i32
      %dma_start3A_37 = tpu.memref_slice %arg6[%arg0, %dma_start3A_35, %dma_start3A_36] : memref<2x10112x128xf32, #tpu.memory_space<hbm>> -> memref<1x10112x128xf32, #tpu.memory_space<hbm>>
      %dma_start3A_38 = tpu.memref_squeeze %dma_start3A_37 : memref<1x10112x128xf32, #tpu.memory_space<hbm>> -> memref<10112x128xf32, #tpu.memory_space<hbm>>
      %dma_start3A_39 = arith.constant 0 : i32
      %dma_start3A_40 = tpu.memref_slice %dma_start3A_38[%mul3A_2, %dma_start3A_39] : memref<10112x128xf32, #tpu.memory_space<hbm>> -> memref<632x128xf32, #tpu.memory_space<hbm>>
      %dma_start3A_41 = arith.constant 0 : i32
      %dma_start3A_42 = tpu.memref_slice %arg11[%mul3A_2, %dma_start3A_41] : memref<10112x128xf32, #tpu.memory_space<vmem_shared>> -> memref<632x128xf32, #tpu.memory_space<vmem_shared>>
      tpu.enqueue_dma source(%dma_start3A_42 : memref<632x128xf32, #tpu.memory_space<vmem_shared>>) target(%dma_start3A_40 : memref<632x128xf32, #tpu.memory_space<hbm>>) target_semaphore(%run_scoped3A_34 : memref<!tpu.dma_semaphore, #tpu.memory_space<semaphore_mem>>)
      %dma_wait3A_43 = arith.constant 0 : i32
      %dma_wait3A_44 = arith.constant 0 : i32
      %dma_wait3A_45 = tpu.memref_slice %arg6[%arg0, %dma_wait3A_43, %dma_wait3A_44] : memref<2x10112x128xf32, #tpu.memory_space<hbm>> -> memref<1x10112x128xf32, #tpu.memory_space<hbm>>
      %dma_wait3A_46 = tpu.memref_squeeze %dma_wait3A_45 : memref<1x10112x128xf32, #tpu.memory_space<hbm>> -> memref<10112x128xf32, #tpu.memory_space<hbm>>
      %dma_wait3A_47 = arith.constant 0 : i32
      %dma_wait3A_48 = tpu.memref_slice %dma_wait3A_46[%mul3A_2, %dma_wait3A_47] : memref<10112x128xf32, #tpu.memory_space<hbm>> -> memref<632x128xf32, #tpu.memory_space<hbm>>
      %dma_wait3A_49 = arith.constant 0 : i32
      %dma_wait3A_50 = tpu.memref_slice %arg11[%mul3A_2, %dma_wait3A_49] : memref<10112x128xf32, #tpu.memory_space<vmem_shared>> -> memref<632x128xf32, #tpu.memory_space<vmem_shared>>
      tpu.wait_dma2 semaphore(%run_scoped3A_34 : memref<!tpu.dma_semaphore, #tpu.memory_space<semaphore_mem>>) src(%dma_wait3A_50 : memref<632x128xf32, #tpu.memory_space<vmem_shared>>) dst(%dma_wait3A_48 : memref<632x128xf32, #tpu.memory_space<hbm>>)
      tpu.yield
    }) : () -> ()
    return
  }
}

module attributes {stable_mosaic.version = 14 : i64} {
  func.func @_stage1_body(%arg0: i32, %arg1: memref<1000x128xf32, #tpu.memory_space<vmem>>, %arg2: memref<128x128xf32, #tpu.memory_space<vmem>>, %arg3: memref<1000x16xf32, #tpu.memory_space<vmem>>, %arg4: memref<1000x16xf32, #tpu.memory_space<vmem>>, %arg5: memref<1000x128xf32, #tpu.memory_space<vmem>>) attributes {dimension_semantics = [#tpu.dimension_semantics<arbitrary>], iteration_bounds = array<i64: 10>, scalar_prefetch = 0 : i64, scratch_operands = 0 : i64, tpu.core_type = #tpu.core_type<tc>, window_params = [{transform_indices = @transform_0, window_bounds = array<i64: 1000, 128>}, {pipeline_mode = #tpu.pipeline_mode<synchronous>, transform_indices = @transform_1, window_bounds = array<i64: 128, 128>}, {transform_indices = @transform_2, window_bounds = array<i64: 1000, 16>}, {transform_indices = @transform_3, window_bounds = array<i64: 1000, 16>}, {transform_indices = @transform_4, window_bounds = array<i64: 1000, 128>}]} {
    %get3A = arith.constant 0 : index
    %get3A_0 = arith.constant 0 : index
    %get3A_1 = vector.load %arg3[%get3A, %get3A_0] : memref<1000x16xf32, #tpu.memory_space<vmem>>, vector<1000x1xf32>
    %get3A_2 = arith.constant 0 : index
    %get3A_3 = arith.constant 0 : index
    %get3A_4 = vector.load %arg4[%get3A_2, %get3A_3] : memref<1000x16xf32, #tpu.memory_space<vmem>>, vector<1000x1xf32>
    %add3A = arith.addf %get3A_1, %get3A_4 : vector<1000x1xf32>
    %add3A_5 = arith.constant 1.000000e+00 : f32
    %add3A_6 = vector.broadcast %add3A_5 : f32 to vector<1000x1xf32>
    %add3A_7 = arith.addf %add3A, %add3A_6 : vector<1000x1xf32>
    %rsqrt3A = math.rsqrt %add3A_7 : vector<1000x1xf32>
    %get3A_8 = arith.constant 0 : index
    %get3A_9 = arith.constant 0 : index
    %get3A_10 = vector.load %arg1[%get3A_8, %get3A_9] : memref<1000x128xf32, #tpu.memory_space<vmem>>, vector<1000x128xf32>
    %get3A_11 = arith.constant 0 : index
    %get3A_12 = arith.constant 0 : index
    %get3A_13 = vector.load %arg2[%get3A_11, %get3A_12] : memref<128x128xf32, #tpu.memory_space<vmem>>, vector<128x128xf32>
    %dot_general3A = arith.constant dense<0.000000e+00> : vector<1000x128xf32>
    %dot_general3A_14 = tpu.matmul %get3A_10, %get3A_13, %dot_general3A {dimension_numbers = #tpu.dot_dimension_numbers<[1], [0], [0], [1], [0, 0, 1, 1], [], []>, transpose_lhs_hint = false} : vector<1000x128xf32>, vector<128x128xf32>, vector<1000x128xf32> -> vector<1000x128xf32>
    %mul3A = vector.broadcast %rsqrt3A : vector<1000x1xf32> to vector<1000x128xf32>
    %mul3A_15 = arith.mulf %mul3A, %dot_general3A_14 : vector<1000x128xf32>
    %swap3A = arith.constant 0 : index
    %swap3A_16 = arith.constant 0 : index
    %swap3A_17 = vector.load %arg5[%swap3A, %swap3A_16] : memref<1000x128xf32, #tpu.memory_space<vmem>>, vector<1000x128xf32>
    tpu.vector_store %arg5[%swap3A, %swap3A_16], %mul3A_15 {strides = array<i32>} : memref<1000x128xf32, #tpu.memory_space<vmem>>, vector<1000x128xf32>,
    return
  }
  func.func @transform_0(%arg0: i32) -> (i32, i32) {
    %c0_i32 = arith.constant 0 : i32
    %c0_i32_0 = arith.constant 0 : i32
    return %arg0, %c0_i32 : i32, i32
  }
  func.func @transform_1(%arg0: i32) -> (i32, i32) {
    %c0_i32 = arith.constant 0 : i32
    %c0_i32_0 = arith.constant 0 : i32
    %c0_i32_1 = arith.constant 0 : i32
    return %c0_i32, %c0_i32_0 : i32, i32
  }
  func.func @transform_2(%arg0: i32) -> (i32, i32) {
    %c0_i32 = arith.constant 0 : i32
    %c0_i32_0 = arith.constant 0 : i32
    return %arg0, %c0_i32 : i32, i32
  }
  func.func @transform_3(%arg0: i32) -> (i32, i32) {
    %c0_i32 = arith.constant 0 : i32
    %c0_i32_0 = arith.constant 0 : i32
    return %arg0, %c0_i32 : i32, i32
  }
  func.func @transform_4(%arg0: i32) -> (i32, i32) {
    %c0_i32 = arith.constant 0 : i32
    %c0_i32_0 = arith.constant 0 : i32
    return %arg0, %c0_i32 : i32, i32
  }
}

module attributes {stable_mosaic.version = 14 : i64} {
  func.func @_stage2_body(%arg0: i32, %arg1: memref<1000x128xf32, #tpu.memory_space<vmem>>, %arg2: memref<1000x128xf32, #tpu.memory_space<vmem>>, %arg3: memref<1000x128xf32, #tpu.memory_space<vmem>>, %arg4: memref<1000x16xf32, #tpu.memory_space<vmem>>, %arg5: memref<1000x16xf32, #tpu.memory_space<vmem>>, %arg6: memref<1x128xf32, #tpu.memory_space<vmem>>, %arg7: memref<128x64xf32, #tpu.memory_space<vmem>>, %arg8: memref<1000x128xf32, #tpu.memory_space<vmem>>) attributes {dimension_semantics = [#tpu.dimension_semantics<arbitrary>], iteration_bounds = array<i64: 10>, scalar_prefetch = 0 : i64, scratch_operands = 0 : i64, tpu.core_type = #tpu.core_type<tc>, window_params = [{transform_indices = @transform_0, window_bounds = array<i64: 1000, 128>}, {transform_indices = @transform_1, window_bounds = array<i64: 1000, 128>}, {transform_indices = @transform_2, window_bounds = array<i64: 1000, 128>}, {transform_indices = @transform_3, window_bounds = array<i64: 1000, 16>}, {transform_indices = @transform_4, window_bounds = array<i64: 1000, 16>}, {pipeline_mode = #tpu.pipeline_mode<synchronous>, transform_indices = @transform_5, window_bounds = array<i64: 1, 128>}, {pipeline_mode = #tpu.pipeline_mode<synchronous>, transform_indices = @transform_6, window_bounds = array<i64: 128, 64>}, {transform_indices = @transform_7, window_bounds = array<i64: 1000, 128>}]} {
    %get3A = arith.constant 0 : index
    %get3A_0 = arith.constant 0 : index
    %get3A_1 = vector.load %arg4[%get3A, %get3A_0] : memref<1000x16xf32, #tpu.memory_space<vmem>>, vector<1000x1xf32>
    %get3A_2 = arith.constant 0 : index
    %get3A_3 = arith.constant 0 : index
    %get3A_4 = vector.load %arg5[%get3A_2, %get3A_3] : memref<1000x16xf32, #tpu.memory_space<vmem>>, vector<1000x1xf32>
    %add3A = arith.addf %get3A_1, %get3A_4 : vector<1000x1xf32>
    %add3A_5 = arith.constant 1.000000e+00 : f32
    %add3A_6 = vector.broadcast %add3A_5 : f32 to vector<1000x1xf32>
    %add3A_7 = arith.addf %add3A, %add3A_6 : vector<1000x1xf32>
    %rsqrt3A = math.rsqrt %add3A_7 : vector<1000x1xf32>
    %get3A_8 = arith.constant 0 : index
    %get3A_9 = arith.constant 0 : index
    %get3A_10 = vector.load %arg1[%get3A_8, %get3A_9] : memref<1000x128xf32, #tpu.memory_space<vmem>>, vector<1000x128xf32>
    %get3A_11 = arith.constant 0 : index
    %get3A_12 = arith.constant 0 : index
    %get3A_13 = vector.load %arg2[%get3A_11, %get3A_12] : memref<1000x128xf32, #tpu.memory_space<vmem>>, vector<1000x128xf32>
    %add3A_14 = arith.addf %get3A_10, %get3A_13 : vector<1000x128xf32>
    %get3A_15 = arith.constant 0 : index
    %get3A_16 = arith.constant 0 : index
    %get3A_17 = vector.load %arg3[%get3A_15, %get3A_16] : memref<1000x128xf32, #tpu.memory_space<vmem>>, vector<1000x128xf32>
    %add3A_18 = arith.addf %add3A_14, %get3A_17 : vector<1000x128xf32>
    %mul3A = vector.broadcast %rsqrt3A : vector<1000x1xf32> to vector<1000x128xf32>
    %mul3A_19 = arith.mulf %mul3A, %add3A_18 : vector<1000x128xf32>
    %get3A_20 = arith.constant 0 : index
    %get3A_21 = arith.constant 0 : index
    %get3A_22 = vector.load %arg6[%get3A_20, %get3A_21] : memref<1x128xf32, #tpu.memory_space<vmem>>, vector<1x128xf32>
    %add3A_23 = vector.broadcast %get3A_22 : vector<1x128xf32> to vector<1000x128xf32>
    %add3A_24 = arith.addf %mul3A_19, %add3A_23 : vector<1000x128xf32>
    %max3A = arith.constant 0.000000e+00 : f32
    %max3A_25 = vector.broadcast %max3A : f32 to vector<1000x128xf32>
    %max3A_26 = arith.maximumf %add3A_24, %max3A_25 : vector<1000x128xf32>
    %get3A_27 = arith.constant 0 : index
    %get3A_28 = arith.constant 0 : index
    %get3A_29 = vector.load %arg7[%get3A_27, %get3A_28] : memref<128x64xf32, #tpu.memory_space<vmem>>, vector<128x64xf32>
    %dot_general3A = arith.constant dense<0.000000e+00> : vector<1000x64xf32>
    %dot_general3A_30 = tpu.matmul %max3A_26, %get3A_29, %dot_general3A {dimension_numbers = #tpu.dot_dimension_numbers<[1], [0], [0], [1], [0, 0, 1, 1], [], []>, transpose_lhs_hint = false} : vector<1000x128xf32>, vector<128x64xf32>, vector<1000x64xf32> -> vector<1000x64xf32>
    %mul3A_31 = vector.broadcast %rsqrt3A : vector<1000x1xf32> to vector<1000x64xf32>
    %mul3A_32 = arith.mulf %mul3A_31, %dot_general3A_30 : vector<1000x64xf32>
    %broadcast_in_dim3A = arith.constant 0.000000e+00 : f32
    %broadcast_in_dim3A_33 = vector.broadcast %broadcast_in_dim3A : f32 to vector<1000x64xf32>
    %concatenate3A = tpu.concatenate %mul3A_32, %broadcast_in_dim3A_33 in 1 : vector<1000x64xf32>, vector<1000x64xf32> -> vector<1000x128xf32>
    %swap3A = arith.constant 0 : index
    %swap3A_34 = arith.constant 0 : index
    %swap3A_35 = vector.load %arg8[%swap3A, %swap3A_34] : memref<1000x128xf32, #tpu.memory_space<vmem>>, vector<1000x128xf32>
    tpu.vector_store %arg8[%swap3A, %swap3A_34], %concatenate3A {strides = array<i32>} : memref<1000x128xf32, #tpu.memory_space<vmem>>, vector<1000x128xf32>,
    return
  }
  func.func @transform_0(%arg0: i32) -> (i32, i32) {
    %c0_i32 = arith.constant 0 : i32
    %c0_i32_0 = arith.constant 0 : i32
    return %arg0, %c0_i32 : i32, i32
  }
  func.func @transform_1(%arg0: i32) -> (i32, i32) {
    %c0_i32 = arith.constant 0 : i32
    %c0_i32_0 = arith.constant 0 : i32
    return %arg0, %c0_i32 : i32, i32
  }
  func.func @transform_2(%arg0: i32) -> (i32, i32) {
    %c0_i32 = arith.constant 0 : i32
    %c0_i32_0 = arith.constant 0 : i32
    return %arg0, %c0_i32 : i32, i32
  }
  func.func @transform_3(%arg0: i32) -> (i32, i32) {
    %c0_i32 = arith.constant 0 : i32
    %c0_i32_0 = arith.constant 0 : i32
    return %arg0, %c0_i32 : i32, i32
  }
  func.func @transform_4(%arg0: i32) -> (i32, i32) {
    %c0_i32 = arith.constant 0 : i32
    %c0_i32_0 = arith.constant 0 : i32
    return %arg0, %c0_i32 : i32, i32
  }
  func.func @transform_5(%arg0: i32) -> (i32, i32) {
    %c0_i32 = arith.constant 0 : i32
    %c0_i32_0 = arith.constant 0 : i32
    %c0_i32_1 = arith.constant 0 : i32
    return %c0_i32, %c0_i32_0 : i32, i32
  }
  func.func @transform_6(%arg0: i32) -> (i32, i32) {
    %c0_i32 = arith.constant 0 : i32
    %c0_i32_0 = arith.constant 0 : i32
    %c0_i32_1 = arith.constant 0 : i32
    return %c0_i32, %c0_i32_0 : i32, i32
  }
  func.func @transform_7(%arg0: i32) -> (i32, i32) {
    %c0_i32 = arith.constant 0 : i32
    %c0_i32_0 = arith.constant 0 : i32
    return %arg0, %c0_i32 : i32, i32
  }
}

module attributes {stable_mosaic.version = 14 : i64} {
  func.func @_stage3_body(%arg0: i32, %arg1: memref<1000x128xf32, #tpu.memory_space<vmem>>, %arg2: memref<1000x128xf32, #tpu.memory_space<vmem>>, %arg3: memref<1000x128xf32, #tpu.memory_space<vmem>>, %arg4: memref<1000x16xf32, #tpu.memory_space<vmem>>, %arg5: memref<1000x16xf32, #tpu.memory_space<vmem>>, %arg6: memref<1x64xf32, #tpu.memory_space<vmem>>, %arg7: memref<1000x64xf32, #tpu.memory_space<vmem>>) attributes {dimension_semantics = [#tpu.dimension_semantics<arbitrary>], iteration_bounds = array<i64: 10>, scalar_prefetch = 0 : i64, scratch_operands = 0 : i64, tpu.core_type = #tpu.core_type<tc>, window_params = [{transform_indices = @transform_0, window_bounds = array<i64: 1000, 128>}, {transform_indices = @transform_1, window_bounds = array<i64: 1000, 128>}, {transform_indices = @transform_2, window_bounds = array<i64: 1000, 128>}, {transform_indices = @transform_3, window_bounds = array<i64: 1000, 16>}, {transform_indices = @transform_4, window_bounds = array<i64: 1000, 16>}, {pipeline_mode = #tpu.pipeline_mode<synchronous>, transform_indices = @transform_5, window_bounds = array<i64: 1, 64>}, {transform_indices = @transform_6, window_bounds = array<i64: 1000, 64>}]} {
    %get3A = arith.constant 0 : index
    %get3A_0 = arith.constant 0 : index
    %get3A_1 = vector.load %arg4[%get3A, %get3A_0] : memref<1000x16xf32, #tpu.memory_space<vmem>>, vector<1000x1xf32>
    %get3A_2 = arith.constant 0 : index
    %get3A_3 = arith.constant 0 : index
    %get3A_4 = vector.load %arg5[%get3A_2, %get3A_3] : memref<1000x16xf32, #tpu.memory_space<vmem>>, vector<1000x1xf32>
    %add3A = arith.addf %get3A_1, %get3A_4 : vector<1000x1xf32>
    %add3A_5 = arith.constant 1.000000e+00 : f32
    %add3A_6 = vector.broadcast %add3A_5 : f32 to vector<1000x1xf32>
    %add3A_7 = arith.addf %add3A, %add3A_6 : vector<1000x1xf32>
    %rsqrt3A = math.rsqrt %add3A_7 : vector<1000x1xf32>
    %get3A_8 = arith.constant 0 : index
    %get3A_9 = arith.constant 0 : index
    %get3A_10 = vector.load %arg1[%get3A_8, %get3A_9] : memref<1000x128xf32, #tpu.memory_space<vmem>>, vector<1000x64xf32>
    %get3A_11 = arith.constant 0 : index
    %get3A_12 = arith.constant 0 : index
    %get3A_13 = vector.load %arg2[%get3A_11, %get3A_12] : memref<1000x128xf32, #tpu.memory_space<vmem>>, vector<1000x64xf32>
    %add3A_14 = arith.addf %get3A_10, %get3A_13 : vector<1000x64xf32>
    %get3A_15 = arith.constant 0 : index
    %get3A_16 = arith.constant 0 : index
    %get3A_17 = vector.load %arg3[%get3A_15, %get3A_16] : memref<1000x128xf32, #tpu.memory_space<vmem>>, vector<1000x64xf32>
    %add3A_18 = arith.addf %add3A_14, %get3A_17 : vector<1000x64xf32>
    %mul3A = vector.broadcast %rsqrt3A : vector<1000x1xf32> to vector<1000x64xf32>
    %mul3A_19 = arith.mulf %mul3A, %add3A_18 : vector<1000x64xf32>
    %get3A_20 = arith.constant 0 : index
    %get3A_21 = arith.constant 0 : index
    %get3A_22 = vector.load %arg6[%get3A_20, %get3A_21] : memref<1x64xf32, #tpu.memory_space<vmem>>, vector<1x64xf32>
    %add3A_23 = vector.broadcast %get3A_22 : vector<1x64xf32> to vector<1000x64xf32>
    %add3A_24 = arith.addf %mul3A_19, %add3A_23 : vector<1000x64xf32>
    %reduce_max3A = arith.constant dense<0xFF800000> : vector<1000xf32>
    %reduce_max3A_25 = vector.multi_reduction <maximumf>, %add3A_24, %reduce_max3A [1] : vector<1000x64xf32> to vector<1000xf32>
    %broadcast_in_dim3A = vector.shape_cast %reduce_max3A_25 : vector<1000xf32> to vector<1000x1xf32>
    %sub3A = vector.broadcast %broadcast_in_dim3A : vector<1000x1xf32> to vector<1000x64xf32>
    %sub3A_26 = arith.subf %add3A_24, %sub3A : vector<1000x64xf32>
    %exp3A = math.exp %sub3A_26 : vector<1000x64xf32>
    %reduce_sum3A = arith.constant dense<0.000000e+00> : vector<1000xf32>
    %reduce_sum3A_27 = vector.multi_reduction <add>, %exp3A, %reduce_sum3A [1] : vector<1000x64xf32> to vector<1000xf32>
    %broadcast_in_dim3A_28 = vector.shape_cast %reduce_sum3A_27 : vector<1000xf32> to vector<1000x1xf32>
    %log3A = math.log %broadcast_in_dim3A_28 : vector<1000x1xf32>
    %add3A_29 = arith.addf %log3A, %broadcast_in_dim3A : vector<1000x1xf32>
    %sub3A_30 = vector.broadcast %add3A_29 : vector<1000x1xf32> to vector<1000x64xf32>
    %sub3A_31 = arith.subf %add3A_24, %sub3A_30 : vector<1000x64xf32>
    %swap3A = arith.constant 0 : index
    %swap3A_32 = arith.constant 0 : index
    %swap3A_33 = vector.load %arg7[%swap3A, %swap3A_32] : memref<1000x64xf32, #tpu.memory_space<vmem>>, vector<1000x64xf32>
    tpu.vector_store %arg7[%swap3A, %swap3A_32], %sub3A_31 {strides = array<i32>} : memref<1000x64xf32, #tpu.memory_space<vmem>>, vector<1000x64xf32>,
    return
  }
  func.func @transform_0(%arg0: i32) -> (i32, i32) {
    %c0_i32 = arith.constant 0 : i32
    %c0_i32_0 = arith.constant 0 : i32
    return %arg0, %c0_i32 : i32, i32
  }
  func.func @transform_1(%arg0: i32) -> (i32, i32) {
    %c0_i32 = arith.constant 0 : i32
    %c0_i32_0 = arith.constant 0 : i32
    return %arg0, %c0_i32 : i32, i32
  }
  func.func @transform_2(%arg0: i32) -> (i32, i32) {
    %c0_i32 = arith.constant 0 : i32
    %c0_i32_0 = arith.constant 0 : i32
    return %arg0, %c0_i32 : i32, i32
  }
  func.func @transform_3(%arg0: i32) -> (i32, i32) {
    %c0_i32 = arith.constant 0 : i32
    %c0_i32_0 = arith.constant 0 : i32
    return %arg0, %c0_i32 : i32, i32
  }
  func.func @transform_4(%arg0: i32) -> (i32, i32) {
    %c0_i32 = arith.constant 0 : i32
    %c0_i32_0 = arith.constant 0 : i32
    return %arg0, %c0_i32 : i32, i32
  }
  func.func @transform_5(%arg0: i32) -> (i32, i32) {
    %c0_i32 = arith.constant 0 : i32
    %c0_i32_0 = arith.constant 0 : i32
    %c0_i32_1 = arith.constant 0 : i32
    return %c0_i32, %c0_i32_0 : i32, i32
  }
  func.func @transform_6(%arg0: i32) -> (i32, i32) {
    %c0_i32 = arith.constant 0 : i32
    %c0_i32_0 = arith.constant 0 : i32
    return %arg0, %c0_i32 : i32, i32
  }
}

</mosaic_0001>

<sc_bundles>
// kernel: kernel.11.cloned.1.call-start
scs
__scs_entry_jumppad:
0x0: {  	(pc) =	sbr.rel $0x88, $3  }
0x1: {  	(tag) =	ssettag $0x0;
	lr =	simm.s32 $0x1  }
0x2: {  	[smem:$0x3F9B] =	sst lr;
	_ =	strace $0xD0000000  }
0x3: {  	_ = 	snop  }
0x4: {  	_ = 	snop  }
0x5: {  	_ = 	snop  }
0x6: {  	_ = 	snop  }
0x7: {  	_ = 	snop  }
__scs_overlays_trampoline_lowered:
0x8: {  	[smem:$0x3FAA] =	sst s0  }
0x9: {  	[smem:$0x3FAB] =	sst s1  }
0xa: {  	[smem:$0x3FAC] =	sst s2  }
0xb: {  	[smem:$0x3FAD] =	sst s3  }
0xc: {  	[smem:$0x3FAE] =	sst s4  }
0xd: {  	[smem:$0x3FAF] =	sst s5  }
0xe: {  	[smem:$0x3FB0] =	sst s6  }
0xf: {  	[smem:$0x3FB1] =	sst s7  }
0x10: {  	[smem:$0x3FB2] =	sst s8  }
0x11: {  	[smem:$0x3FB3] =	sst s9;
	s0 =	simm.s32 @!p0 $0x0  }
0x12: {  	s1 =	sld [smem:$0x3F99];
	s0 =	simm.s32 @p0 $0x1  }
0x13: {  	[smem:$0x3FB4] =	sst s0;
	s0 =	simm.s32 @!p1 $0x0  }
0x14: {  	s2 =	sld [smem:$0x3F98];
	s0 =	simm.s32 @p1 $0x1  }
0x15: {  	[smem:$0x3FB5] =	sst s0;
	s0 =	simm.s32 @!p2 $0x0  }
0x16: {  	s3 =	sld [smem:$0x3FDB];
	s0 =	simm.s32 @p2 $0x1  }
0x17: {  	s4 =	simm.s32 $0x1BF5;
	[smem:$0x3FB7] =	sst s0  }
0x18: {  	s0 =	sld [smem:$0x3F9A];
	_ =	swait.ge [sflag:s4], $0x0  }
0x19: {  	s7 =	sld [smem:$0x3F9B]  }
0x1a: {  	s8 =	sadd.s32 $0xFFFFE003, lr  }
0x1b: {  	s9 =	sadd.s32 $0xFFFFFEF7, lr;
	s5 =	simm.s32 $0xFFFFFFFF;
	p2 =	slt.u32 s8, $0xFFFFF086  }
0x1c: {  	p1 =	slt.u32 s9, $0xF7A;
	s5 =	simm.s32 @!p2 $0x0  }
0x1d: {  	s5 =	simm.s32 @p1 $0x1;
	p0 =	seq.s32 s7, s2  }
0x1e: {  	s7 =	smul.u32 @!p0 $0xF7A, s2;
	p2 =	seq.s32 @!p0 s5, $0x0  }
0x1f: {  	s9 =	smul.u32 $0xF7A, s1;
	s8 =	simm.s32 @!p0 $0x1BF5;
	p2 =	por !p2, p0  }
0x20: {  	[sflag:s8] =	ssyncset.s32 @!p0 $0xFFFFF086;
	s6 =	sadd.s32 @!p0 s3, s7;
	s7 =	simm.s32 @!p0 $0x108  }
0x21: {  	s3 =	sadd.s32 s3, s9;
	s6 =	sadd.s32 @!p0 $0x88, s6;
	s7 =	simm.s32 @p2 $0x1082  }
0x22: {  	[simem:s7], [sflag:s8] =	dma.local @!p0 [hbm:s6], $0xF7A  }
0x23: {  	s9 =	sor.u32 $0xD0000000, s2;
	s6 =	simm.s32 $0x108;
	_ =	swait.ge @!p0 [sflag:s8], $0x0  }
0x24: {  	s3 =	sadd.s32 $0x88, s3;
	s6 =	simm.s32 @!p1 $0x1082;
	[sflag:s4] =	ssyncset.s32 $0xFFFFF086  }
0x25: {  	[simem:s6], [sflag:s4] =	dma.local [hbm:s3], $0xF7A  }
0x26: {  	[smem:$0x3F9B] =	sst s1;
	(tag) =	ssettag s2;
	_ =	strace s9  }
0x27: {  	s1 =	sld [smem:$0x3FAB]  }
0x28: {  	s2 =	sld [smem:$0x3FAC]  }
0x29: {  	s4 =	sld [smem:$0x3FAE]  }
0x2a: {  	p0 =	seq.s32 s5, $0x0;
	s5 =	sld [smem:$0x3FAF]  }
0x2b: {  	s6 =	sld [smem:$0x3FB0]  }
0x2c: {  	s7 =	sld [smem:$0x3FB1]  }
0x2d: {  	s3 =	simm.s32 $0x108;
	s8 =	sld [smem:$0x3FB2]  }
0x2e: {  	s3 =	simm.s32 @!p0 $0x1082;
	s9 =	sld [smem:$0x3FB3]  }
0x2f: {  	lr =	sadd.s32 s0, s3;
	s0 =	sld [smem:$0x3FAA]  }
0x30: {  	s3 =	sld [smem:$0x3FAD]  }
0x31: {  	[smem:$0x3FB6] =	sst s10  }
0x32: {  	s10 =	sld [smem:$0x3FB4];
	_ =	sdelay $0x3  }
0x33: {  	p0 =	seq.s32 s10, $0x1;
	s10 =	sld [smem:$0x3FB6];
	_ =	sdelay $0x3  }
0x34: {  	[smem:$0x3FB6] =	sst s10  }
0x35: {  	s10 =	sld [smem:$0x3FB5];
	_ =	sdelay $0x3  }
0x36: {  	p1 =	seq.s32 s10, $0x1;
	s10 =	sld [smem:$0x3FB6];
	_ =	sdelay $0x3  }
0x37: {  	[smem:$0x3FB6] =	sst s10  }
0x38: {  	s10 =	sld [smem:$0x3FB7]  }
0x39: {  	_ = 	snop;
	(pc) =	sbr.ind lr, $3  }
0x3a: {  	_ = 	snop  }
0x3b: {  	_ = 	snop  }
0x3c: {  	p2 =	seq.s32 s10, $0x1;
	s10 =	sld [smem:$0x3FB6]  }
0x3d: {  	_ =	shalt  }
0x3e: {  	_ =	shalt  }
0x3f: {  	_ =	shalt  }
0x40: {  	_ =	shalt  }
0x41: {  	_ =	shalt  }
0x42: {  	_ =	shalt  }
0x43: {  	_ =	shalt  }
0x44: {  	_ =	shalt  }
0x45: {  	_ =	shalt  }
0x46: {  	_ =	shalt  }
0x47: {  	_ =	shalt  }
0x48: {  	_ =	shalt  }
0x49: {  	_ =	shalt  }
0x4a: {  	_ =	shalt  }
0x4b: {  	_ =	shalt  }
0x4c: {  	_ =	shalt  }
0x4d: {  	_ =	shalt  }
0x4e: {  	_ =	shalt  }
0x4f: {  	_ =	shalt  }
0x50: {  	_ =	shalt  }
0x51: {  	_ =	shalt  }
0x52: {  	_ =	shalt  }
0x53: {  	_ =	shalt  }
0x54: {  	_ =	shalt  }
0x55: {  	_ =	shalt  }
0x56: {  	_ =	shalt  }
0x57: {  	_ =	shalt  }
0x58: {  	_ =	shalt  }
0x59: {  	_ =	shalt  }
0x5a: {  	_ =	shalt  }
0x5b: {  	_ =	shalt  }
0x5c: {  	_ =	shalt  }
0x5d: {  	_ =	shalt  }
0x5e: {  	_ =	shalt  }
0x5f: {  	_ =	shalt  }
0x60: {  	_ =	shalt  }
0x61: {  	_ =	shalt  }
0x62: {  	_ =	shalt  }
0x63: {  	_ =	shalt  }
0x64: {  	_ =	shalt  }
0x65: {  	_ =	shalt  }
0x66: {  	_ =	shalt  }
0x67: {  	_ =	shalt  }
0x68: {  	_ =	shalt  }
0x69: {  	_ =	shalt  }
0x6a: {  	_ =	shalt  }
0x6b: {  	_ =	shalt  }
0x6c: {  	_ =	shalt  }
0x6d: {  	_ =	shalt  }
0x6e: {  	_ =	shalt  }
0x6f: {  	_ =	shalt  }
0x70: {  	_ =	shalt  }
0x71: {  	_ =	shalt  }
0x72: {  	_ =	shalt  }
0x73: {  	_ =	shalt  }
0x74: {  	_ =	shalt  }
0x75: {  	_ =	shalt  }
0x76: {  	_ =	shalt  }
0x77: {  	_ =	shalt  }
0x78: {  	_ =	shalt  }
0x79: {  	_ =	shalt  }
0x7a: {  	_ =	shalt  }
0x7b: {  	_ =	shalt  }
0x7c: {  	_ =	shalt  }
0x7d: {  	_ =	shalt  }
0x7e: {  	_ =	shalt  }
0x7f: {  	_ =	shalt  }
0x80: {  	_ =	shalt  }
0x81: {  	_ =	shalt  }
0x82: {  	_ =	shalt  }
0x83: {  	_ =	shalt  }
0x84: {  	_ =	shalt  }
0x85: {  	_ =	shalt  }
0x86: {  	_ =	shalt  }
0x87: {  	_ =	shalt  }
.Lfunc_end0:
.L_simem_size_0:
called_computation.1_lowered:
.L_overlay_start_0:
0x88: {  	s2 =	sld [smem:$0x3FD9]  }
0x89: {  	s3 =	sld [smem:$0x3FFE];
	_ =	sdelay $0x1  }
0x8a: {  	s1 =	srdreg.scid  }
0x8b: {  	s0 =	sand.u32 $0x1, s1  }
0x8c: {  	s17 =	sshll.u32 s0, $0xA;
	s2 =	sadd.s32 s3, s2  }
0x8d: {  	s2 =	sadd.s32 s2, s17  }
0x8e: {  	[smem:$0x3FC2] =	sst s2  }
0x8f: {  	_ = 	snop  }
0x90: {  	s2 =	sld [smem:$0x3FD0];
	(tm) =	ssettm $0x1  }
0x91: {  	s18 =	sld [smem:$0x3FFB];
	_ =	sdelay $0x3  }
0x92: {  	_ =	strace s18  }
0x93: {  	s3 =	sld [smem:$0x3FFC];
	_ =	sdelay $0x3  }
0x94: {  	_ =	strace s3  }
0x95: {  	s3 =	sld [smem:$0x3FFD];
	_ =	sdelay $0x3  }
0x96: {  	_ =	strace s3  }
0x97: {  	_ =	strace $0x8FFFFFFF  }
0x98: {  	s19 =	sld [smem:$0x3FDB];
	_ =	sdelay $0x1  }
0x99: {  	s4 =	simm.s32 $_scs_section_size  }
0x9a: {  	s5 =	simm.s32 $_size__tile_overlayer_lowered;
	s6 =	simm.s32 $_tile_overlayer_lowered  }
0x9b: {  	s22 =	simm.s32 $0x1BFF;
	s21 =	sshll.u32 s6, $0x1;
	s3 =	sadd.s32 s4, s19  }
0x9c: {  	s7 =	simm.s32 $0x0;
	s20 =	sshll.u32 s5, $0x1;
	s5 =	sadd.s32 s21, s3  }
0x9d: {  	[timem:s7], [sflag:s22] =	dma.local [hbm:s5], s20  }
0x9e: {  	_ =	swait.ge [sflag:s22], s20  }
0x9f: {  	s4 =	ssub.s32 $0x0, s20;
	[sflag:s22] =	ssyncset.done $0x0  }
0xa0: {  	[sflag:s22] =	ssyncadd.s32 s4;
	_ =	sdelay $0x1  }
0xa1: {  	s23 =	simm.s32 $0x1B8B  }
0xa2: {  	_ =	swait.ge [sflag:s23], $0x1  }
0xa3: {  	[sflag:s23] =	ssyncset.done $0x0  }
0xa4: {  	s25 =	simm.s32 $0x1B8E;
	s24 =	sld [smem:$0x3FFE];
	[sflag:s23] =	ssyncadd.s32 $0xFFFFFFFF  }
0xa5: {  	s26 =	simm.s32 $execute0_lowered;
	[smem:$0x3FD2] =	sst s25  }
0xa6: {  	s5 =	sshll.u32 s26, $0x1;
	_ =	strace $0x80000049;
	[dreg:$0x1] =	wrdreg $0xFFFFFFFF  }
0xa7: {  	s28 =	simm.s32 $_size_execute0_lowered;
	s3 =	sadd.s32 s3, s5;
	[dreg:$0x0] =	wrdreg $0x0  }
0xa8: {  	s5 =	sshll.u32 s28, $0x1;
	[dreg:$0x2] =	wrdreg s3  }
0xa9: {  	[dreg:$0x3] =	wrdreg s5  }
0xaa: {  	[dreg:$0x4] =	wrdreg $0xC0  }
0xab: {  	_ =	task [dreg:s7], $0x5FFFF  }
0xac: {  	[dreg:$0x1] =	wrdreg $0xFFFFFFFF  }
0xad: {  	[dreg:$0x0] =	wrdreg $0x60  }
0xae: {  	[dreg:$0x2] =	wrdreg s24  }
0xaf: {  	[dreg:$0x3] =	wrdreg s2  }
0xb0: {  	[dreg:$0x4] =	wrdreg $0xA8000  }
0xb1: {  	[dreg:$0x5] =	wrdreg $0x9  }
0xb2: {  	_ =	task.clear_ibuf [dreg:s7], $0x6FFFF;
	_ =	strace $0x90000049  }
0xb3: {  	s29 =	simm.s32 $0x9;
	_ =	strace $0x8000004B  }
0xb4: {  	_ =	swait.ge [sflag:s29], $0x1  }
0xb5: {  	[sflag:s29] =	ssyncadd.s32 $0xFFFFFFFF  }
0xb6: {  	_ =	strace $0x9000004B  }
0xb7: {  	_ =	sfence  }
0xb8: {  	s30 =	sld [smem:$0x0];
	_ =	sdelay $0x2  }
0xb9: {  	s31 =	sshll.u32 s1, $0xD;
	s1 =	sshrl.u32 s1, $0x2  }
0xba: {  	s3 =	sand.u32 $0x4000, s31;
	s1 =	sadd.s32 s1, s30  }
0xbb: {  	s0 =	sor.u32 s3, s0;
	s1 =	sshll.u32 s1, $0x11  }
0xbc: {  	s0 =	sor.u32 s1, s0  }
0xbd: {  	s0 =	sadd.s32 $0x8F2B, s0  }
0xbe: {  	[sflag:s0] =	ssyncadd.remote.s32 $0x1  }
0xbf: {  	_ =	sfence.sel $0xFFFF  }
0xc0: {  	[dreg:$0x0] =	wrdreg $0xFFFFFFFF;
	(pc) =	sbr.abs _section_cstart, $3  }
0xc1: {  	[dreg:$0x1] =	wrdreg $0xFFFFFFFF  }
0xc2: {  	_ =	task.clear_ibuf [dreg:s7], $0x2FFFF;
	_ =	strace $0x9FFFFFFF  }
0xc3: {  	(tm) =	ssettm $0x7FFFFFFF  }
tec
execute0_lowered:
.L_overlay_start_1:
0x0: {  	(tag) =	ssettag $0x1  }
0x1: {  	s5 =	rddreg [dreg:$0x0]  }
0x2: {  	s1 =	srdreg.scid;
	s8 =	rddreg [dreg:$0x1]  }
0x3: {  	s0 =	stileid.u32;
	s2 =	rddreg [dreg:$0x2]  }
0x4: {  	s3 =	simm.s32 $0x0;
	s15 =	simm.s32 $0x6800;
	s16 =	simm.s32 $0x1  }
0x5: {  	s17 =	simm.s32 $0x2;
	s18 =	simm.s32 $0x1380;
	s19 =	simm.s32 $0x2700  }
0x6: {  	s20 =	simm.s32 $0x2780;
	s6 =	sand.u32 $0x1, s1;
	s23 =	smul.u32 $0x2780, s0  }
0x7: {  	s26 =	sshll.u32 s0, $0x1;
	[smem:$0x7FF] =	sst s3;
	s10 =	smul.u32 $0x4F000, s0  }
0x8: {  	s4 =	sadd.s32 $0x83C00, s5;
	s1 =	sor.u32 s6, s26;
	s7 =	smul.u32 $0x27800, s6  }
0x9: {  	s31 =	sshll.u32 s0, $0x6;
	s6 =	ssub.s32 $0x2, s6;
	s9 =	smul.u32 $0x500, s1  }
0xa: {  	s1 =	rddreg [dreg:$0x3];
	_ =	strace $0x8000004A;
	s12 =	sadd.s32 s23, s5  }
0xb: {  	s28 =	sshrl.u32 s6, $0x1;
	s29 =	sshrl.u32 s10, $0x2;
	s13 =	sadd.s32 s7, s5  }
0xc: {  	s30 =	ssub.s32 s6, s28;
	s14 =	sadd.s32 s29, s2;
	s6 =	sor.u32 $0x1C03, s31  }
0xd: {  	s11 =	sadd.s32 s9, s5;
	s5 =	sadd.s32 $0x2C00, s12;
	s8 =	sadd.s32 s8, s9  }
0xe: {  	s24 =	sadd.s32 $0xAAE00, s13;
	s9 =	smax.u32 s30, $0x1;
	s10 =	sshrl.u32 s14, $0x3  }
0xf: {  	s12 =	simm.s32 $0x1400;
	s13 =	simm.s32 $0x80;
	s14 =	simm.s32 $0x2800  }
0x10: {  	s7 =	sadd.s32 $0x79C00, s11;
	s11 =	simm.s32 $0x3;
	s22 =	sadd.s32 $0x280, s8  }
0x11: {  	s23 =	sadd.s32 s23, s24;
	s24 =	simm.s32 $0x0;
	s21 =	sadd.s32 $0x280, s7  }
.LBB2_1:
0x12: {  	[spmem:s10], [sflag:s6] =	dma.local [hbm:s5], $0x2780  }
0x13: {  	_ =	swait.ge [sflag:s11], $0x2780  }
0x14: {  	[sflag:s11] =	ssyncset.done $0x0  }
0x15: {  	[sflag:s11] =	ssyncadd.s32 $0xFFFFD880  }
0x16: {  	[tilespmem:s3], [sflag:$0x3] =	stream.linear.gather [hbm4b:s7+s3], $0x1400, $0x38;
	[tilespmem:$0x1E400] =	vst v63  }
0x17: {  	_ =	swait.ge [sflag:s11], $0x1400  }
0x18: {  	[sflag:s11] =	ssyncset.done $0x0  }
0x19: {  	[sflag:s11] =	ssyncadd.s32 $0xFFFFEC00  }
0x1a: {  	[tilespmem:s12], [sflag:$0x3] =	stream.linear.gather [hbm4b:s8+s3], $0x1400, $0x38;
	[tilespmem:$0x1E400] =	vst v63  }
0x1b: {  	_ =	swait.ge [sflag:s11], $0x1400  }
0x1c: {  	[sflag:s11] =	ssyncset.done $0x0  }
0x1d: {  	[sflag:s11] =	ssyncadd.s32 $0xFFFFEC00  }
0x1e: {  	[bflag:$0x0] =	sbarrier.arrive $0xFFFF  }
0x1f: {  	[tilespmem:s14], [sflag:$0x1] =	stream.indirect.gather [hbm4b:s4+s13], $0x80, s3, s13, $0xb8;
	[tilespmem:$0x1E400] =	vst v63  }
0x20: {  	s25 =	simm.s32 $0x80  }
0x21: {  	[tilespmem:s15], [sflag:$0x2] =	stream.indirect.gather [hbm4b:s4+s13], $0x80, s25, s13, $0xb8;
	[tilespmem:$0x1E400] =	vst v63  }
0x22: {  	_ =	swait.ge [sflag:s16], $0x4000  }
0x23: {  	[sflag:s16] =	ssyncset.done $0x0  }
0x24: {  	s29 =	simm.s32 $0x1400;
	[sflag:s16] =	ssyncadd.s32 $0xFFFFC000  }
0x25: {  	[spmem:s2] =	stream.indirect.scatter.add.f32 [tilespmem:s14], [sflag:$0x3], $0x80, s29, s13, $0xb8;
	[tilespmem:$0x1E400] =	vst v63  }
0x26: {  	_ =	swait.ge [sflag:s11], $0x4000  }
0x27: {  	[sflag:s11] =	ssyncset.done $0x0  }
0x28: {  	s30 =	simm.s32 $0x100;
	[sflag:s11] =	ssyncadd.s32 $0xFFFFC000  }
0x29: {  	[tilespmem:s14], [sflag:$0x1] =	stream.indirect.gather [hbm4b:s4+s13], $0x80, s30, s13, $0xb8;
	[tilespmem:$0x1E400] =	vst v63  }
0x2a: {  	_ =	swait.ge [sflag:s17], $0x4000  }
0x2b: {  	[sflag:s17] =	ssyncset.done $0x0  }
0x2c: {  	s31 =	simm.s32 $0x1480;
	[sflag:s17] =	ssyncadd.s32 $0xFFFFC000  }
0x2d: {  	[spmem:s2] =	stream.indirect.scatter.add.f32 [tilespmem:s15], [sflag:$0x3], $0x80, s31, s13, $0xb8;
	[tilespmem:$0x1E400] =	vst v63  }
0x2e: {  	_ =	swait.ge [sflag:s11], $0x4000  }
0x2f: {  	s26 =	simm.s32 $0x800;
	s25 =	simm.s32 $0x100;
	[sflag:s11] =	ssyncset.done $0x0  }
.LBB2_2:
0x30: {  	s28 =	sadd.s32 $0x80, s25  }
0x31: {  	[sflag:s11] =	ssyncadd.s32 $0xFFFFC000;
	s29 =	smov.u32 s26;
	s30 =	sadd.s32 $0x400, s26  }
0x32: {  	[tilespmem:s15], [sflag:$0x2] =	stream.indirect.gather [hbm4b:s4+s13], $0x80, s28, s13, $0xb8;
	[tilespmem:$0x1E400] =	vst v63  }
0x33: {  	p0 =	sne.s32 s26, $0x4800;
	_ =	swait.ge [sflag:s16], $0x4000  }
0x34: {  	[sflag:s16] =	ssyncset.done $0x0  }
0x35: {  	s26 =	sadd.s32 $0x1400, s25;
	[sflag:s16] =	ssyncadd.s32 $0xFFFFC000  }
0x36: {  	[spmem:s2] =	stream.indirect.scatter.add.f32 [tilespmem:s14], [sflag:$0x3], $0x80, s26, s13, $0xb8;
	[tilespmem:$0x1E400] =	vst v63  }
0x37: {  	_ =	swait.ge [sflag:s11], $0x4000  }
0x38: {  	[sflag:s11] =	ssyncset.done $0x0  }
0x39: {  	s26 =	sadd.s32 $0x100, s25;
	[sflag:s11] =	ssyncadd.s32 $0xFFFFC000  }
0x3a: {  	[tilespmem:s14], [sflag:$0x1] =	stream.indirect.gather [hbm4b:s4+s13], $0x80, s26, s13, $0xb8;
	[tilespmem:$0x1E400] =	vst v63  }
0x3b: {  	_ =	swait.ge [sflag:s17], $0x4000  }
.Ltmp0:
0x3c: {  	[sflag:s17] =	ssyncset.done $0x0;
	(pc) =	sbr.rel @p0 .LBB2_2-.Ltmp0, $4  }
0x3d: {  	s25 =	sadd.s32 $0x1480, s25;
	[sflag:s17] =	ssyncadd.s32 $0xFFFFC000  }
0x3e: {  	[spmem:s2] =	stream.indirect.scatter.add.f32 [tilespmem:s15], [sflag:$0x3], $0x80, s25, s13, $0xb8;
	[tilespmem:$0x1E400] =	vst v63  }
0x3f: {  	_ =	swait.ge [sflag:s11], $0x4000  }
0x40: {  	s26 =	smov.u32 s30;
	s25 =	sshra.s32 s29, $0x2;
	[sflag:s11] =	ssyncset.done $0x0  }
0x41: {  	s26 =	sadd.s32 $0x80, s25;
	[sflag:s11] =	ssyncadd.s32 $0xFFFFC000  }
0x42: {  	[tilespmem:s15], [sflag:$0x2] =	stream.indirect.gather [hbm4b:s4+s13], $0x80, s26, s13, $0xb8;
	[tilespmem:$0x1E400] =	vst v63  }
0x43: {  	_ =	swait.ge [sflag:s16], $0x4000  }
0x44: {  	[sflag:s16] =	ssyncset.done $0x0  }
0x45: {  	s29 =	sadd.s32 $0x1400, s25;
	[sflag:s16] =	ssyncadd.s32 $0xFFFFC000  }
0x46: {  	[spmem:s2] =	stream.indirect.scatter.add.f32 [tilespmem:s14], [sflag:$0x3], $0x80, s29, s13, $0xb8;
	[tilespmem:$0x1E400] =	vst v63  }
0x47: {  	_ =	swait.ge [sflag:s11], $0x4000  }
0x48: {  	[sflag:s11] =	ssyncset.done $0x0  }
0x49: {  	s30 =	sadd.s32 $0x100, s25;
	[sflag:s11] =	ssyncadd.s32 $0xFFFFC000  }
0x4a: {  	[tilespmem:s14], [sflag:$0x1] =	stream.indirect.gather [hbm4b:s4+s13], $0x80, s30, s13, $0xb8;
	[tilespmem:$0x1E400] =	vst v63  }
0x4b: {  	_ =	swait.ge [sflag:s17], $0x4000  }
0x4c: {  	[sflag:s17] =	ssyncset.done $0x0  }
0x4d: {  	s31 =	sadd.s32 $0x1480, s25;
	[sflag:s17] =	ssyncadd.s32 $0xFFFFC000  }
0x4e: {  	[spmem:s2] =	stream.indirect.scatter.add.f32 [tilespmem:s15], [sflag:$0x3], $0x80, s31, s13, $0xb8;
	[tilespmem:$0x1E400] =	vst v63  }
0x4f: {  	_ =	swait.ge [sflag:s11], $0x4000  }
0x50: {  	[sflag:s11] =	ssyncset.done $0x0  }
0x51: {  	[sflag:s11] =	ssyncadd.s32 $0xFFFFC000  }
0x52: {  	[tilespmem:s15], [sflag:$0x2] =	stream.indirect.gather [hbm4b:s4+s13], $0x80, s18, s13, $0xb8;
	[tilespmem:$0x1E400] =	vst v63  }
0x53: {  	_ =	swait.ge [sflag:s16], $0x4000  }
0x54: {  	[sflag:s16] =	ssyncset.done $0x0  }
0x55: {  	[sflag:s16] =	ssyncadd.s32 $0xFFFFC000  }
0x56: {  	[spmem:s2] =	stream.indirect.scatter.add.f32 [tilespmem:s14], [sflag:$0x3], $0x80, s19, s13, $0xb8;
	[tilespmem:$0x1E400] =	vst v63  }
0x57: {  	_ =	swait.ge [sflag:s11], $0x4000  }
0x58: {  	[sflag:s11] =	ssyncset.done $0x0  }
0x59: {  	[sflag:s11] =	ssyncadd.s32 $0xFFFFC000  }
0x5a: {  	_ =	swait.ge [sflag:s17], $0x4000  }
0x5b: {  	[sflag:s17] =	ssyncset.done $0x0  }
0x5c: {  	[sflag:s17] =	ssyncadd.s32 $0xFFFFC000  }
0x5d: {  	[spmem:s2] =	stream.indirect.scatter.add.f32 [tilespmem:s15], [sflag:$0x3], $0x80, s20, s13, $0xb8;
	[tilespmem:$0x1E400] =	vst v63  }
0x5e: {  	_ =	swait.ge [sflag:s11], $0x4000  }
0x5f: {  	[sflag:s11] =	ssyncset.done $0x0  }
0x60: {  	s26 =	simm.s32 $0x0;
	[sflag:s11] =	ssyncadd.s32 $0xFFFFC000  }
0x61: {  	[tilespmem:s26], [sflag:$0x3] =	stream.linear.gather [hbm4b:s21+s26], $0x1380, $0x38;
	[tilespmem:$0x1E400] =	vst v63  }
0x62: {  	_ =	swait.ge [sflag:s11], $0x1380  }
0x63: {  	[sflag:s11] =	ssyncset.done $0x0  }
0x64: {  	[sflag:s11] =	ssyncadd.s32 $0xFFFFEC80  }
0x65: {  	[tilespmem:s12], [sflag:$0x3] =	stream.linear.gather [hbm4b:s22+s26], $0x1380, $0x38;
	[tilespmem:$0x1E400] =	vst v63  }
0x66: {  	_ =	swait.ge [sflag:s11], $0x1380  }
0x67: {  	[sflag:s11] =	ssyncset.done $0x0  }
0x68: {  	[sflag:s11] =	ssyncadd.s32 $0xFFFFEC80  }
0x69: {  	[tilespmem:s14], [sflag:$0x1] =	stream.indirect.gather [hbm4b:s4+s13], $0x80, s26, s13, $0xb8;
	[tilespmem:$0x1E400] =	vst v63  }
0x6a: {  	s28 =	simm.s32 $0x80  }
0x6b: {  	[tilespmem:s15], [sflag:$0x2] =	stream.indirect.gather [hbm4b:s4+s13], $0x80, s28, s13, $0xb8;
	[tilespmem:$0x1E400] =	vst v63  }
0x6c: {  	_ =	swait.ge [sflag:s16], $0x4000  }
0x6d: {  	[sflag:s16] =	ssyncset.done $0x0  }
0x6e: {  	s29 =	simm.s32 $0x1400;
	[sflag:s16] =	ssyncadd.s32 $0xFFFFC000  }
0x6f: {  	[spmem:s2] =	stream.indirect.scatter.add.f32 [tilespmem:s14], [sflag:$0x3], $0x80, s29, s13, $0xb8;
	[tilespmem:$0x1E400] =	vst v63  }
0x70: {  	_ =	swait.ge [sflag:s11], $0x4000  }
0x71: {  	[sflag:s11] =	ssyncset.done $0x0  }
0x72: {  	s30 =	simm.s32 $0x100;
	[sflag:s11] =	ssyncadd.s32 $0xFFFFC000  }
0x73: {  	[tilespmem:s14], [sflag:$0x1] =	stream.indirect.gather [hbm4b:s4+s13], $0x80, s30, s13, $0xb8;
	[tilespmem:$0x1E400] =	vst v63  }
0x74: {  	_ =	swait.ge [sflag:s17], $0x4000  }
0x75: {  	[sflag:s17] =	ssyncset.done $0x0  }
0x76: {  	s31 =	simm.s32 $0x1480;
	[sflag:s17] =	ssyncadd.s32 $0xFFFFC000  }
0x77: {  	[spmem:s2] =	stream.indirect.scatter.add.f32 [tilespmem:s15], [sflag:$0x3], $0x80, s31, s13, $0xb8;
	[tilespmem:$0x1E400] =	vst v63  }
0x78: {  	_ =	swait.ge [sflag:s11], $0x4000  }
0x79: {  	s25 =	simm.s32 $0x100;
	s26 =	simm.s32 $0x800;
	[sflag:s11] =	ssyncset.done $0x0  }
.LBB2_4:
0x7a: {  	s28 =	sadd.s32 $0x80, s25  }
0x7b: {  	[sflag:s11] =	ssyncadd.s32 $0xFFFFC000;
	s29 =	smov.u32 s26;
	s30 =	sadd.s32 $0x400, s26  }
0x7c: {  	[tilespmem:s15], [sflag:$0x2] =	stream.indirect.gather [hbm4b:s4+s13], $0x80, s28, s13, $0xb8;
	[tilespmem:$0x1E400] =	vst v63  }
0x7d: {  	p0 =	sne.s32 s26, $0x4800;
	_ =	swait.ge [sflag:s16], $0x4000  }
0x7e: {  	[sflag:s16] =	ssyncset.done $0x0  }
0x7f: {  	s26 =	sadd.s32 $0x1400, s25;
	[sflag:s16] =	ssyncadd.s32 $0xFFFFC000  }
0x80: {  	[spmem:s2] =	stream.indirect.scatter.add.f32 [tilespmem:s14], [sflag:$0x3], $0x80, s26, s13, $0xb8;
	[tilespmem:$0x1E400] =	vst v63  }
0x81: {  	_ =	swait.ge [sflag:s11], $0x4000  }
0x82: {  	[sflag:s11] =	ssyncset.done $0x0  }
0x83: {  	s26 =	sadd.s32 $0x100, s25;
	[sflag:s11] =	ssyncadd.s32 $0xFFFFC000  }
0x84: {  	[tilespmem:s14], [sflag:$0x1] =	stream.indirect.gather [hbm4b:s4+s13], $0x80, s26, s13, $0xb8;
	[tilespmem:$0x1E400] =	vst v63  }
0x85: {  	_ =	swait.ge [sflag:s17], $0x4000  }
.Ltmp1:
0x86: {  	[sflag:s17] =	ssyncset.done $0x0;
	(pc) =	sbr.rel @p0 .LBB2_4-.Ltmp1, $4  }
0x87: {  	s25 =	sadd.s32 $0x1480, s25;
	[sflag:s17] =	ssyncadd.s32 $0xFFFFC000  }
0x88: {  	[spmem:s2] =	stream.indirect.scatter.add.f32 [tilespmem:s15], [sflag:$0x3], $0x80, s25, s13, $0xb8;
	[tilespmem:$0x1E400] =	vst v63  }
0x89: {  	_ =	swait.ge [sflag:s11], $0x4000  }
0x8a: {  	s26 =	smov.u32 s30;
	s25 =	sshra.s32 s29, $0x2;
	[sflag:s11] =	ssyncset.done $0x0  }
0x8b: {  	s26 =	sadd.s32 $0x80, s25;
	[sflag:s11] =	ssyncadd.s32 $0xFFFFC000  }
0x8c: {  	[tilespmem:s15], [sflag:$0x2] =	stream.indirect.gather [hbm4b:s4+s13], $0x80, s26, s13, $0xb8;
	[tilespmem:$0x1E400] =	vst v63  }
0x8d: {  	_ =	swait.ge [sflag:s16], $0x4000  }
0x8e: {  	[sflag:s16] =	ssyncset.done $0x0  }
0x8f: {  	s29 =	sadd.s32 $0x1400, s25;
	[sflag:s16] =	ssyncadd.s32 $0xFFFFC000  }
0x90: {  	[spmem:s2] =	stream.indirect.scatter.add.f32 [tilespmem:s14], [sflag:$0x3], $0x80, s29, s13, $0xb8;
	[tilespmem:$0x1E400] =	vst v63  }
0x91: {  	_ =	swait.ge [sflag:s11], $0x4000  }
0x92: {  	[sflag:s11] =	ssyncset.done $0x0  }
0x93: {  	s30 =	sadd.s32 $0x100, s25;
	[sflag:s11] =	ssyncadd.s32 $0xFFFFC000  }
0x94: {  	[tilespmem:s14], [sflag:$0x1] =	stream.indirect.gather [hbm4b:s4+s13], $0x80, s30, s13, $0xb8;
	[tilespmem:$0x1E400] =	vst v63  }
0x95: {  	_ =	swait.ge [sflag:s17], $0x4000  }
0x96: {  	[sflag:s17] =	ssyncset.done $0x0  }
0x97: {  	s31 =	sadd.s32 $0x1480, s25;
	[sflag:s17] =	ssyncadd.s32 $0xFFFFC000  }
0x98: {  	[spmem:s2] =	stream.indirect.scatter.add.f32 [tilespmem:s15], [sflag:$0x3], $0x80, s31, s13, $0xb8;
	[tilespmem:$0x1E400] =	vst v63  }
0x99: {  	_ =	swait.ge [sflag:s11], $0x4000  }
0x9a: {  	[sflag:s11] =	ssyncset.done $0x0  }
0x9b: {  	[sflag:s11] =	ssyncadd.s32 $0xFFFFC000  }
0x9c: {  	_ =	swait.ge [sflag:s16], $0x4000  }
0x9d: {  	[sflag:s16] =	ssyncset.done $0x0  }
0x9e: {  	[sflag:s16] =	ssyncadd.s32 $0xFFFFC000  }
0x9f: {  	[spmem:s2] =	stream.indirect.scatter.add.f32 [tilespmem:s14], [sflag:$0x3], $0x80, s19, s13, $0xb8;
	[tilespmem:$0x1E400] =	vst v63  }
0xa0: {  	_ =	swait.ge [sflag:s11], $0x4000  }
0xa1: {  	s24 =	sadd.s32 $0x1, s24;
	[sflag:s11] =	ssyncset.done $0x0  }
0xa2: {  	p0 =	sne.s32 s24, s9;
	[sflag:s11] =	ssyncadd.s32 $0xFFFFC000  }
.Ltmp2:
0xa3: {  	[bflag:$0x0] =	sbarrier.arrive $0xFFFF;
	(pc) =	sbr.rel @p0 .LBB2_1-.Ltmp2, $4  }
0xa4: {  	[hbm:s23], [sflag:s6] =	dma.local [spmem:s10], $0x2780  }
0xa5: {  	_ =	swait.ge [sflag:s11], $0x2780  }
0xa6: {  	[sflag:s11] =	ssyncset.done $0x0  }
0xa7: {  	[sflag:s11] =	ssyncadd.s32 $0xFFFFD880  }
0xa8: {  	_ =	sfence.sel $0x180000  }
0xa9: {  	[bflag:$0x0] =	sbarrier.arrive $0xFFFF  }
0xaa: {  	p0 =	sne.s32 s0, $0x0;
	_ =	strace $0x9000004A  }
0xab: {  	s0 =	sadd.s32 @!p0 $0x100000, s1;
	[bflag:$0x2] =	sbarrier.arrive $0xFFFF  }
0xac: {  	[sflag:s0] =	ssyncadd.tile.s32 @!p0 $0x1;
	_ =	shalt  }
.Lfunc_end2:
_tile_overlayer_lowered:
.L_overlay_start_2:
0xad: {  	(tag) =	ssettag $0x2  }
0xae: {  	s0 =	rddreg [dreg:$0x0];
	s2 =	stileid.u32  }
0xaf: {  	s1 =	rddreg [dreg:$0x1];
	p0 =	sne.s32 s2, $0x0  }
0xb0: {  	s3 =	rddreg [dreg:$0x2];
	[bflag:$0x3] =	sbarrier.arrive $0xFFFF;
	s2 =	simm.s32 @!p0 $0x1C03  }
0xb1: {  	[timem:s3], [sflag:s2] =	dma.local @!p0 [hbm:s0], s1  }
0xb2: {  	s0 =	simm.s32 @!p0 $0x3  }
0xb3: {  	_ =	swait.ge @!p0 [sflag:s0], s1  }
0xb4: {  	s1 =	ssub.s32 @!p0 $0x0, s1;
	[sflag:s0] =	ssyncset.done @!p0 $0x0  }
0xb5: {  	[sflag:s0] =	ssyncadd.s32 @!p0 s1  }
0xb6: {  	[bflag:$0x3] =	sbarrier.arrive $0xFFFF  }
0xb7: {  	_ =	shalt  }

// kernel: kernel.14.cloned.1.call-start
scs
__scs_entry_jumppad:
0x0: {  	(pc) =	sbr.rel $0x88, $3  }
0x1: {  	(tag) =	ssettag $0x0;
	lr =	simm.s32 $0x1  }
0x2: {  	[smem:$0x3F9B] =	sst lr;
	_ =	strace $0xD0000000  }
0x3: {  	_ = 	snop  }
0x4: {  	_ = 	snop  }
0x5: {  	_ = 	snop  }
0x6: {  	_ = 	snop  }
0x7: {  	_ = 	snop  }
__scs_overlays_trampoline_lowered:
0x8: {  	[smem:$0x3FAA] =	sst s0  }
0x9: {  	[smem:$0x3FAB] =	sst s1  }
0xa: {  	[smem:$0x3FAC] =	sst s2  }
0xb: {  	[smem:$0x3FAD] =	sst s3  }
0xc: {  	[smem:$0x3FAE] =	sst s4  }
0xd: {  	[smem:$0x3FAF] =	sst s5  }
0xe: {  	[smem:$0x3FB0] =	sst s6  }
0xf: {  	[smem:$0x3FB1] =	sst s7  }
0x10: {  	[smem:$0x3FB2] =	sst s8  }
0x11: {  	[smem:$0x3FB3] =	sst s9;
	s0 =	simm.s32 @!p0 $0x0  }
0x12: {  	s1 =	sld [smem:$0x3F99];
	s0 =	simm.s32 @p0 $0x1  }
0x13: {  	[smem:$0x3FB4] =	sst s0;
	s0 =	simm.s32 @!p1 $0x0  }
0x14: {  	s2 =	sld [smem:$0x3F98];
	s0 =	simm.s32 @p1 $0x1  }
0x15: {  	[smem:$0x3FB5] =	sst s0;
	s0 =	simm.s32 @!p2 $0x0  }
0x16: {  	s3 =	sld [smem:$0x3FDB];
	s0 =	simm.s32 @p2 $0x1  }
0x17: {  	s4 =	simm.s32 $0x1BF5;
	[smem:$0x3FB7] =	sst s0  }
0x18: {  	s0 =	sld [smem:$0x3F9A];
	_ =	swait.ge [sflag:s4], $0x0  }
0x19: {  	s7 =	sld [smem:$0x3F9B]  }
0x1a: {  	s8 =	sadd.s32 $0xFFFFE003, lr  }
0x1b: {  	s9 =	sadd.s32 $0xFFFFFEF7, lr;
	s5 =	simm.s32 $0xFFFFFFFF;
	p2 =	slt.u32 s8, $0xFFFFF086  }
0x1c: {  	p1 =	slt.u32 s9, $0xF7A;
	s5 =	simm.s32 @!p2 $0x0  }
0x1d: {  	s5 =	simm.s32 @p1 $0x1;
	p0 =	seq.s32 s7, s2  }
0x1e: {  	s7 =	smul.u32 @!p0 $0xF7A, s2;
	p2 =	seq.s32 @!p0 s5, $0x0  }
0x1f: {  	s9 =	smul.u32 $0xF7A, s1;
	s8 =	simm.s32 @!p0 $0x1BF5;
	p2 =	por !p2, p0  }
0x20: {  	[sflag:s8] =	ssyncset.s32 @!p0 $0xFFFFF086;
	s6 =	sadd.s32 @!p0 s3, s7;
	s7 =	simm.s32 @!p0 $0x108  }
0x21: {  	s3 =	sadd.s32 s3, s9;
	s6 =	sadd.s32 @!p0 $0x88, s6;
	s7 =	simm.s32 @p2 $0x1082  }
0x22: {  	[simem:s7], [sflag:s8] =	dma.local @!p0 [hbm:s6], $0xF7A  }
0x23: {  	s9 =	sor.u32 $0xD0000000, s2;
	s6 =	simm.s32 $0x108;
	_ =	swait.ge @!p0 [sflag:s8], $0x0  }
0x24: {  	s3 =	sadd.s32 $0x88, s3;
	s6 =	simm.s32 @!p1 $0x1082;
	[sflag:s4] =	ssyncset.s32 $0xFFFFF086  }
0x25: {  	[simem:s6], [sflag:s4] =	dma.local [hbm:s3], $0xF7A  }
0x26: {  	[smem:$0x3F9B] =	sst s1;
	(tag) =	ssettag s2;
	_ =	strace s9  }
0x27: {  	s1 =	sld [smem:$0x3FAB]  }
0x28: {  	s2 =	sld [smem:$0x3FAC]  }
0x29: {  	s4 =	sld [smem:$0x3FAE]  }
0x2a: {  	p0 =	seq.s32 s5, $0x0;
	s5 =	sld [smem:$0x3FAF]  }
0x2b: {  	s6 =	sld [smem:$0x3FB0]  }
0x2c: {  	s7 =	sld [smem:$0x3FB1]  }
0x2d: {  	s3 =	simm.s32 $0x108;
	s8 =	sld [smem:$0x3FB2]  }
0x2e: {  	s3 =	simm.s32 @!p0 $0x1082;
	s9 =	sld [smem:$0x3FB3]  }
0x2f: {  	lr =	sadd.s32 s0, s3;
	s0 =	sld [smem:$0x3FAA]  }
0x30: {  	s3 =	sld [smem:$0x3FAD]  }
0x31: {  	[smem:$0x3FB6] =	sst s10  }
0x32: {  	s10 =	sld [smem:$0x3FB4];
	_ =	sdelay $0x3  }
0x33: {  	p0 =	seq.s32 s10, $0x1;
	s10 =	sld [smem:$0x3FB6];
	_ =	sdelay $0x3  }
0x34: {  	[smem:$0x3FB6] =	sst s10  }
0x35: {  	s10 =	sld [smem:$0x3FB5];
	_ =	sdelay $0x3  }
0x36: {  	p1 =	seq.s32 s10, $0x1;
	s10 =	sld [smem:$0x3FB6];
	_ =	sdelay $0x3  }
0x37: {  	[smem:$0x3FB6] =	sst s10  }
0x38: {  	s10 =	sld [smem:$0x3FB7]  }
0x39: {  	_ = 	snop;
	(pc) =	sbr.ind lr, $3  }
0x3a: {  	_ = 	snop  }
0x3b: {  	_ = 	snop  }
0x3c: {  	p2 =	seq.s32 s10, $0x1;
	s10 =	sld [smem:$0x3FB6]  }
0x3d: {  	_ =	shalt  }
0x3e: {  	_ =	shalt  }
0x3f: {  	_ =	shalt  }
0x40: {  	_ =	shalt  }
0x41: {  	_ =	shalt  }
0x42: {  	_ =	shalt  }
0x43: {  	_ =	shalt  }
0x44: {  	_ =	shalt  }
0x45: {  	_ =	shalt  }
0x46: {  	_ =	shalt  }
0x47: {  	_ =	shalt  }
0x48: {  	_ =	shalt  }
0x49: {  	_ =	shalt  }
0x4a: {  	_ =	shalt  }
0x4b: {  	_ =	shalt  }
0x4c: {  	_ =	shalt  }
0x4d: {  	_ =	shalt  }
0x4e: {  	_ =	shalt  }
0x4f: {  	_ =	shalt  }
0x50: {  	_ =	shalt  }
0x51: {  	_ =	shalt  }
0x52: {  	_ =	shalt  }
0x53: {  	_ =	shalt  }
0x54: {  	_ =	shalt  }
0x55: {  	_ =	shalt  }
0x56: {  	_ =	shalt  }
0x57: {  	_ =	shalt  }
0x58: {  	_ =	shalt  }
0x59: {  	_ =	shalt  }
0x5a: {  	_ =	shalt  }
0x5b: {  	_ =	shalt  }
0x5c: {  	_ =	shalt  }
0x5d: {  	_ =	shalt  }
0x5e: {  	_ =	shalt  }
0x5f: {  	_ =	shalt  }
0x60: {  	_ =	shalt  }
0x61: {  	_ =	shalt  }
0x62: {  	_ =	shalt  }
0x63: {  	_ =	shalt  }
0x64: {  	_ =	shalt  }
0x65: {  	_ =	shalt  }
0x66: {  	_ =	shalt  }
0x67: {  	_ =	shalt  }
0x68: {  	_ =	shalt  }
0x69: {  	_ =	shalt  }
0x6a: {  	_ =	shalt  }
0x6b: {  	_ =	shalt  }
0x6c: {  	_ =	shalt  }
0x6d: {  	_ =	shalt  }
0x6e: {  	_ =	shalt  }
0x6f: {  	_ =	shalt  }
0x70: {  	_ =	shalt  }
0x71: {  	_ =	shalt  }
0x72: {  	_ =	shalt  }
0x73: {  	_ =	shalt  }
0x74: {  	_ =	shalt  }
0x75: {  	_ =	shalt  }
0x76: {  	_ =	shalt  }
0x77: {  	_ =	shalt  }
0x78: {  	_ =	shalt  }
0x79: {  	_ =	shalt  }
0x7a: {  	_ =	shalt  }
0x7b: {  	_ =	shalt  }
0x7c: {  	_ =	shalt  }
0x7d: {  	_ =	shalt  }
0x7e: {  	_ =	shalt  }
0x7f: {  	_ =	shalt  }
0x80: {  	_ =	shalt  }
0x81: {  	_ =	shalt  }
0x82: {  	_ =	shalt  }
0x83: {  	_ =	shalt  }
0x84: {  	_ =	shalt  }
0x85: {  	_ =	shalt  }
0x86: {  	_ =	shalt  }
0x87: {  	_ =	shalt  }
.Lfunc_end0:
.L_simem_size_0:
called_computation.2_lowered:
.L_overlay_start_0:
0x88: {  	s2 =	sld [smem:$0x3FD9]  }
0x89: {  	s3 =	sld [smem:$0x3FFE];
	_ =	sdelay $0x1  }
0x8a: {  	s1 =	srdreg.scid  }
0x8b: {  	s0 =	sand.u32 $0x1, s1  }
0x8c: {  	s17 =	sshll.u32 s0, $0xA;
	s2 =	sadd.s32 s3, s2  }
0x8d: {  	s2 =	sadd.s32 s2, s17  }
0x8e: {  	[smem:$0x3FC2] =	sst s2  }
0x8f: {  	_ = 	snop  }
0x90: {  	s2 =	sld [smem:$0x3FD0];
	(tm) =	ssettm $0x1  }
0x91: {  	s18 =	sld [smem:$0x3FFB];
	_ =	sdelay $0x3  }
0x92: {  	_ =	strace s18  }
0x93: {  	s3 =	sld [smem:$0x3FFC];
	_ =	sdelay $0x3  }
0x94: {  	_ =	strace s3  }
0x95: {  	s3 =	sld [smem:$0x3FFD];
	_ =	sdelay $0x3  }
0x96: {  	_ =	strace s3  }
0x97: {  	_ =	strace $0x8FFFFFFF  }
0x98: {  	s19 =	sld [smem:$0x3FDB];
	_ =	sdelay $0x1  }
0x99: {  	s4 =	simm.s32 $_scs_section_size  }
0x9a: {  	s5 =	simm.s32 $_size__tile_overlayer_lowered;
	s6 =	simm.s32 $_tile_overlayer_lowered  }
0x9b: {  	s22 =	simm.s32 $0x1BFF;
	s21 =	sshll.u32 s6, $0x1;
	s3 =	sadd.s32 s4, s19  }
0x9c: {  	s7 =	simm.s32 $0x0;
	s20 =	sshll.u32 s5, $0x1;
	s5 =	sadd.s32 s21, s3  }
0x9d: {  	[timem:s7], [sflag:s22] =	dma.local [hbm:s5], s20  }
0x9e: {  	_ =	swait.ge [sflag:s22], s20  }
0x9f: {  	s4 =	ssub.s32 $0x0, s20;
	[sflag:s22] =	ssyncset.done $0x0  }
0xa0: {  	[sflag:s22] =	ssyncadd.s32 s4;
	_ =	sdelay $0x1  }
0xa1: {  	s23 =	simm.s32 $0x1B8B  }
0xa2: {  	_ =	swait.ge [sflag:s23], $0x1  }
0xa3: {  	[sflag:s23] =	ssyncset.done $0x0  }
0xa4: {  	s25 =	simm.s32 $0x1B8E;
	s24 =	sld [smem:$0x3FFE];
	[sflag:s23] =	ssyncadd.s32 $0xFFFFFFFF  }
0xa5: {  	s26 =	simm.s32 $execute0_lowered;
	[smem:$0x3FD2] =	sst s25  }
0xa6: {  	s5 =	sshll.u32 s26, $0x1;
	_ =	strace $0x8000004C;
	[dreg:$0x1] =	wrdreg $0xFFFFFFFF  }
0xa7: {  	s28 =	simm.s32 $_size_execute0_lowered;
	s3 =	sadd.s32 s3, s5;
	[dreg:$0x0] =	wrdreg $0x0  }
0xa8: {  	s5 =	sshll.u32 s28, $0x1;
	[dreg:$0x2] =	wrdreg s3  }
0xa9: {  	[dreg:$0x3] =	wrdreg s5  }
0xaa: {  	[dreg:$0x4] =	wrdreg $0xC0  }
0xab: {  	_ =	task [dreg:s7], $0x5FFFF  }
0xac: {  	[dreg:$0x1] =	wrdreg $0xFFFFFFFF  }
0xad: {  	[dreg:$0x0] =	wrdreg $0x60  }
0xae: {  	[dreg:$0x2] =	wrdreg s24  }
0xaf: {  	[dreg:$0x3] =	wrdreg s2  }
0xb0: {  	[dreg:$0x4] =	wrdreg $0xA8000  }
0xb1: {  	[dreg:$0x5] =	wrdreg $0x9  }
0xb2: {  	_ =	task.clear_ibuf [dreg:s7], $0x6FFFF;
	_ =	strace $0x9000004C  }
0xb3: {  	s29 =	simm.s32 $0x9;
	_ =	strace $0x8000004E  }
0xb4: {  	_ =	swait.ge [sflag:s29], $0x1  }
0xb5: {  	[sflag:s29] =	ssyncadd.s32 $0xFFFFFFFF  }
0xb6: {  	_ =	strace $0x9000004E  }
0xb7: {  	_ =	sfence  }
0xb8: {  	s30 =	sld [smem:$0x0];
	_ =	sdelay $0x2  }
0xb9: {  	s31 =	sshll.u32 s1, $0xD;
	s1 =	sshrl.u32 s1, $0x2  }
0xba: {  	s3 =	sand.u32 $0x4000, s31;
	s1 =	sadd.s32 s1, s30  }
0xbb: {  	s0 =	sor.u32 s3, s0;
	s1 =	sshll.u32 s1, $0x11  }
0xbc: {  	s0 =	sor.u32 s1, s0  }
0xbd: {  	s0 =	sadd.s32 $0x8F2B, s0  }
0xbe: {  	[sflag:s0] =	ssyncadd.remote.s32 $0x1  }
0xbf: {  	_ =	sfence.sel $0xFFFF  }
0xc0: {  	[dreg:$0x0] =	wrdreg $0xFFFFFFFF;
	(pc) =	sbr.abs _section_cstart, $3  }
0xc1: {  	[dreg:$0x1] =	wrdreg $0xFFFFFFFF  }
0xc2: {  	_ =	task.clear_ibuf [dreg:s7], $0x2FFFF;
	_ =	strace $0x9FFFFFFF  }
0xc3: {  	(tm) =	ssettm $0x7FFFFFFF  }
tec
execute0_lowered:
.L_overlay_start_1:
0x0: {  	(tag) =	ssettag $0x1  }
0x1: {  	s5 =	rddreg [dreg:$0x0]  }
0x2: {  	s1 =	srdreg.scid;
	s8 =	rddreg [dreg:$0x1]  }
0x3: {  	s0 =	stileid.u32;
	s2 =	rddreg [dreg:$0x2]  }
0x4: {  	s3 =	simm.s32 $0x0;
	s15 =	simm.s32 $0x6800;
	s16 =	simm.s32 $0x1  }
0x5: {  	s17 =	simm.s32 $0x2;
	s18 =	simm.s32 $0x1380;
	s19 =	simm.s32 $0x2700  }
0x6: {  	s20 =	simm.s32 $0x2780;
	s6 =	sand.u32 $0x1, s1;
	s23 =	smul.u32 $0x2780, s0  }
0x7: {  	s26 =	sshll.u32 s0, $0x1;
	[smem:$0x7FF] =	sst s3;
	s10 =	smul.u32 $0x4F000, s0  }
0x8: {  	s4 =	sadd.s32 $0x83C00, s5;
	s1 =	sor.u32 s6, s26;
	s7 =	smul.u32 $0x27800, s6  }
0x9: {  	s31 =	sshll.u32 s0, $0x6;
	s6 =	ssub.s32 $0x2, s6;
	s9 =	smul.u32 $0x500, s1  }
0xa: {  	s1 =	rddreg [dreg:$0x3];
	_ =	strace $0x8000004D;
	s12 =	sadd.s32 s23, s5  }
0xb: {  	s28 =	sshrl.u32 s6, $0x1;
	s29 =	sshrl.u32 s10, $0x2;
	s13 =	sadd.s32 s7, s5  }
0xc: {  	s30 =	ssub.s32 s6, s28;
	s14 =	sadd.s32 s29, s2;
	s6 =	sor.u32 $0x1C03, s31  }
0xd: {  	s11 =	sadd.s32 s9, s5;
	s5 =	sadd.s32 $0x2C00, s12;
	s8 =	sadd.s32 s8, s9  }
0xe: {  	s24 =	sadd.s32 $0xAAE00, s13;
	s9 =	smax.u32 s30, $0x1;
	s10 =	sshrl.u32 s14, $0x3  }
0xf: {  	s12 =	simm.s32 $0x1400;
	s13 =	simm.s32 $0x80;
	s14 =	simm.s32 $0x2800  }
0x10: {  	s7 =	sadd.s32 $0x79C00, s11;
	s11 =	simm.s32 $0x3;
	s22 =	sadd.s32 $0x280, s8  }
0x11: {  	s23 =	sadd.s32 s23, s24;
	s24 =	simm.s32 $0x0;
	s21 =	sadd.s32 $0x280, s7  }
.LBB2_1:
0x12: {  	[spmem:s10], [sflag:s6] =	dma.local [hbm:s5], $0x2780  }
0x13: {  	_ =	swait.ge [sflag:s11], $0x2780  }
0x14: {  	[sflag:s11] =	ssyncset.done $0x0  }
0x15: {  	[sflag:s11] =	ssyncadd.s32 $0xFFFFD880  }
0x16: {  	[tilespmem:s3], [sflag:$0x3] =	stream.linear.gather [hbm4b:s7+s3], $0x1400, $0x38;
	[tilespmem:$0x1E400] =	vst v63  }
0x17: {  	_ =	swait.ge [sflag:s11], $0x1400  }
0x18: {  	[sflag:s11] =	ssyncset.done $0x0  }
0x19: {  	[sflag:s11] =	ssyncadd.s32 $0xFFFFEC00  }
0x1a: {  	[tilespmem:s12], [sflag:$0x3] =	stream.linear.gather [hbm4b:s8+s3], $0x1400, $0x38;
	[tilespmem:$0x1E400] =	vst v63  }
0x1b: {  	_ =	swait.ge [sflag:s11], $0x1400  }
0x1c: {  	[sflag:s11] =	ssyncset.done $0x0  }
0x1d: {  	[sflag:s11] =	ssyncadd.s32 $0xFFFFEC00  }
0x1e: {  	[bflag:$0x0] =	sbarrier.arrive $0xFFFF  }
0x1f: {  	[tilespmem:s14], [sflag:$0x1] =	stream.indirect.gather [hbm4b:s4+s13], $0x80, s3, s13, $0xb8;
	[tilespmem:$0x1E400] =	vst v63  }
0x20: {  	s25 =	simm.s32 $0x80  }
0x21: {  	[tilespmem:s15], [sflag:$0x2] =	stream.indirect.gather [hbm4b:s4+s13], $0x80, s25, s13, $0xb8;
	[tilespmem:$0x1E400] =	vst v63  }
0x22: {  	_ =	swait.ge [sflag:s16], $0x4000  }
0x23: {  	[sflag:s16] =	ssyncset.done $0x0  }
0x24: {  	s29 =	simm.s32 $0x1400;
	[sflag:s16] =	ssyncadd.s32 $0xFFFFC000  }
0x25: {  	[spmem:s2] =	stream.indirect.scatter.add.f32 [tilespmem:s14], [sflag:$0x3], $0x80, s29, s13, $0xb8;
	[tilespmem:$0x1E400] =	vst v63  }
0x26: {  	_ =	swait.ge [sflag:s11], $0x4000  }
0x27: {  	[sflag:s11] =	ssyncset.done $0x0  }
0x28: {  	s30 =	simm.s32 $0x100;
	[sflag:s11] =	ssyncadd.s32 $0xFFFFC000  }
0x29: {  	[tilespmem:s14], [sflag:$0x1] =	stream.indirect.gather [hbm4b:s4+s13], $0x80, s30, s13, $0xb8;
	[tilespmem:$0x1E400] =	vst v63  }
0x2a: {  	_ =	swait.ge [sflag:s17], $0x4000  }
0x2b: {  	[sflag:s17] =	ssyncset.done $0x0  }
0x2c: {  	s31 =	simm.s32 $0x1480;
	[sflag:s17] =	ssyncadd.s32 $0xFFFFC000  }
0x2d: {  	[spmem:s2] =	stream.indirect.scatter.add.f32 [tilespmem:s15], [sflag:$0x3], $0x80, s31, s13, $0xb8;
	[tilespmem:$0x1E400] =	vst v63  }
0x2e: {  	_ =	swait.ge [sflag:s11], $0x4000  }
0x2f: {  	s26 =	simm.s32 $0x800;
	s25 =	simm.s32 $0x100;
	[sflag:s11] =	ssyncset.done $0x0  }
.LBB2_2:
0x30: {  	s28 =	sadd.s32 $0x80, s25  }
0x31: {  	[sflag:s11] =	ssyncadd.s32 $0xFFFFC000;
	s29 =	smov.u32 s26;
	s30 =	sadd.s32 $0x400, s26  }
0x32: {  	[tilespmem:s15], [sflag:$0x2] =	stream.indirect.gather [hbm4b:s4+s13], $0x80, s28, s13, $0xb8;
	[tilespmem:$0x1E400] =	vst v63  }
0x33: {  	p0 =	sne.s32 s26, $0x4800;
	_ =	swait.ge [sflag:s16], $0x4000  }
0x34: {  	[sflag:s16] =	ssyncset.done $0x0  }
0x35: {  	s26 =	sadd.s32 $0x1400, s25;
	[sflag:s16] =	ssyncadd.s32 $0xFFFFC000  }
0x36: {  	[spmem:s2] =	stream.indirect.scatter.add.f32 [tilespmem:s14], [sflag:$0x3], $0x80, s26, s13, $0xb8;
	[tilespmem:$0x1E400] =	vst v63  }
0x37: {  	_ =	swait.ge [sflag:s11], $0x4000  }
0x38: {  	[sflag:s11] =	ssyncset.done $0x0  }
0x39: {  	s26 =	sadd.s32 $0x100, s25;
	[sflag:s11] =	ssyncadd.s32 $0xFFFFC000  }
0x3a: {  	[tilespmem:s14], [sflag:$0x1] =	stream.indirect.gather [hbm4b:s4+s13], $0x80, s26, s13, $0xb8;
	[tilespmem:$0x1E400] =	vst v63  }
0x3b: {  	_ =	swait.ge [sflag:s17], $0x4000  }
.Ltmp0:
0x3c: {  	[sflag:s17] =	ssyncset.done $0x0;
	(pc) =	sbr.rel @p0 .LBB2_2-.Ltmp0, $4  }
0x3d: {  	s25 =	sadd.s32 $0x1480, s25;
	[sflag:s17] =	ssyncadd.s32 $0xFFFFC000  }
0x3e: {  	[spmem:s2] =	stream.indirect.scatter.add.f32 [tilespmem:s15], [sflag:$0x3], $0x80, s25, s13, $0xb8;
	[tilespmem:$0x1E400] =	vst v63  }
0x3f: {  	_ =	swait.ge [sflag:s11], $0x4000  }
0x40: {  	s26 =	smov.u32 s30;
	s25 =	sshra.s32 s29, $0x2;
	[sflag:s11] =	ssyncset.done $0x0  }
0x41: {  	s26 =	sadd.s32 $0x80, s25;
	[sflag:s11] =	ssyncadd.s32 $0xFFFFC000  }
0x42: {  	[tilespmem:s15], [sflag:$0x2] =	stream.indirect.gather [hbm4b:s4+s13], $0x80, s26, s13, $0xb8;
	[tilespmem:$0x1E400] =	vst v63  }
0x43: {  	_ =	swait.ge [sflag:s16], $0x4000  }
0x44: {  	[sflag:s16] =	ssyncset.done $0x0  }
0x45: {  	s29 =	sadd.s32 $0x1400, s25;
	[sflag:s16] =	ssyncadd.s32 $0xFFFFC000  }
0x46: {  	[spmem:s2] =	stream.indirect.scatter.add.f32 [tilespmem:s14], [sflag:$0x3], $0x80, s29, s13, $0xb8;
	[tilespmem:$0x1E400] =	vst v63  }
0x47: {  	_ =	swait.ge [sflag:s11], $0x4000  }
0x48: {  	[sflag:s11] =	ssyncset.done $0x0  }
0x49: {  	s30 =	sadd.s32 $0x100, s25;
	[sflag:s11] =	ssyncadd.s32 $0xFFFFC000  }
0x4a: {  	[tilespmem:s14], [sflag:$0x1] =	stream.indirect.gather [hbm4b:s4+s13], $0x80, s30, s13, $0xb8;
	[tilespmem:$0x1E400] =	vst v63  }
0x4b: {  	_ =	swait.ge [sflag:s17], $0x4000  }
0x4c: {  	[sflag:s17] =	ssyncset.done $0x0  }
0x4d: {  	s31 =	sadd.s32 $0x1480, s25;
	[sflag:s17] =	ssyncadd.s32 $0xFFFFC000  }
0x4e: {  	[spmem:s2] =	stream.indirect.scatter.add.f32 [tilespmem:s15], [sflag:$0x3], $0x80, s31, s13, $0xb8;
	[tilespmem:$0x1E400] =	vst v63  }
0x4f: {  	_ =	swait.ge [sflag:s11], $0x4000  }
0x50: {  	[sflag:s11] =	ssyncset.done $0x0  }
0x51: {  	[sflag:s11] =	ssyncadd.s32 $0xFFFFC000  }
0x52: {  	[tilespmem:s15], [sflag:$0x2] =	stream.indirect.gather [hbm4b:s4+s13], $0x80, s18, s13, $0xb8;
	[tilespmem:$0x1E400] =	vst v63  }
0x53: {  	_ =	swait.ge [sflag:s16], $0x4000  }
0x54: {  	[sflag:s16] =	ssyncset.done $0x0  }
0x55: {  	[sflag:s16] =	ssyncadd.s32 $0xFFFFC000  }
0x56: {  	[spmem:s2] =	stream.indirect.scatter.add.f32 [tilespmem:s14], [sflag:$0x3], $0x80, s19, s13, $0xb8;
	[tilespmem:$0x1E400] =	vst v63  }
0x57: {  	_ =	swait.ge [sflag:s11], $0x4000  }
0x58: {  	[sflag:s11] =	ssyncset.done $0x0  }
0x59: {  	[sflag:s11] =	ssyncadd.s32 $0xFFFFC000  }
0x5a: {  	_ =	swait.ge [sflag:s17], $0x4000  }
0x5b: {  	[sflag:s17] =	ssyncset.done $0x0  }
0x5c: {  	[sflag:s17] =	ssyncadd.s32 $0xFFFFC000  }
0x5d: {  	[spmem:s2] =	stream.indirect.scatter.add.f32 [tilespmem:s15], [sflag:$0x3], $0x80, s20, s13, $0xb8;
	[tilespmem:$0x1E400] =	vst v63  }
0x5e: {  	_ =	swait.ge [sflag:s11], $0x4000  }
0x5f: {  	[sflag:s11] =	ssyncset.done $0x0  }
0x60: {  	s26 =	simm.s32 $0x0;
	[sflag:s11] =	ssyncadd.s32 $0xFFFFC000  }
0x61: {  	[tilespmem:s26], [sflag:$0x3] =	stream.linear.gather [hbm4b:s21+s26], $0x1380, $0x38;
	[tilespmem:$0x1E400] =	vst v63  }
0x62: {  	_ =	swait.ge [sflag:s11], $0x1380  }
0x63: {  	[sflag:s11] =	ssyncset.done $0x0  }
0x64: {  	[sflag:s11] =	ssyncadd.s32 $0xFFFFEC80  }
0x65: {  	[tilespmem:s12], [sflag:$0x3] =	stream.linear.gather [hbm4b:s22+s26], $0x1380, $0x38;
	[tilespmem:$0x1E400] =	vst v63  }
0x66: {  	_ =	swait.ge [sflag:s11], $0x1380  }
0x67: {  	[sflag:s11] =	ssyncset.done $0x0  }
0x68: {  	[sflag:s11] =	ssyncadd.s32 $0xFFFFEC80  }
0x69: {  	[tilespmem:s14], [sflag:$0x1] =	stream.indirect.gather [hbm4b:s4+s13], $0x80, s26, s13, $0xb8;
	[tilespmem:$0x1E400] =	vst v63  }
0x6a: {  	s28 =	simm.s32 $0x80  }
0x6b: {  	[tilespmem:s15], [sflag:$0x2] =	stream.indirect.gather [hbm4b:s4+s13], $0x80, s28, s13, $0xb8;
	[tilespmem:$0x1E400] =	vst v63  }
0x6c: {  	_ =	swait.ge [sflag:s16], $0x4000  }
0x6d: {  	[sflag:s16] =	ssyncset.done $0x0  }
0x6e: {  	s29 =	simm.s32 $0x1400;
	[sflag:s16] =	ssyncadd.s32 $0xFFFFC000  }
0x6f: {  	[spmem:s2] =	stream.indirect.scatter.add.f32 [tilespmem:s14], [sflag:$0x3], $0x80, s29, s13, $0xb8;
	[tilespmem:$0x1E400] =	vst v63  }
0x70: {  	_ =	swait.ge [sflag:s11], $0x4000  }
0x71: {  	[sflag:s11] =	ssyncset.done $0x0  }
0x72: {  	s30 =	simm.s32 $0x100;
	[sflag:s11] =	ssyncadd.s32 $0xFFFFC000  }
0x73: {  	[tilespmem:s14], [sflag:$0x1] =	stream.indirect.gather [hbm4b:s4+s13], $0x80, s30, s13, $0xb8;
	[tilespmem:$0x1E400] =	vst v63  }
0x74: {  	_ =	swait.ge [sflag:s17], $0x4000  }
0x75: {  	[sflag:s17] =	ssyncset.done $0x0  }
0x76: {  	s31 =	simm.s32 $0x1480;
	[sflag:s17] =	ssyncadd.s32 $0xFFFFC000  }
0x77: {  	[spmem:s2] =	stream.indirect.scatter.add.f32 [tilespmem:s15], [sflag:$0x3], $0x80, s31, s13, $0xb8;
	[tilespmem:$0x1E400] =	vst v63  }
0x78: {  	_ =	swait.ge [sflag:s11], $0x4000  }
0x79: {  	s25 =	simm.s32 $0x100;
	s26 =	simm.s32 $0x800;
	[sflag:s11] =	ssyncset.done $0x0  }
.LBB2_4:
0x7a: {  	s28 =	sadd.s32 $0x80, s25  }
0x7b: {  	[sflag:s11] =	ssyncadd.s32 $0xFFFFC000;
	s29 =	smov.u32 s26;
	s30 =	sadd.s32 $0x400, s26  }
0x7c: {  	[tilespmem:s15], [sflag:$0x2] =	stream.indirect.gather [hbm4b:s4+s13], $0x80, s28, s13, $0xb8;
	[tilespmem:$0x1E400] =	vst v63  }
0x7d: {  	p0 =	sne.s32 s26, $0x4800;
	_ =	swait.ge [sflag:s16], $0x4000  }
0x7e: {  	[sflag:s16] =	ssyncset.done $0x0  }
0x7f: {  	s26 =	sadd.s32 $0x1400, s25;
	[sflag:s16] =	ssyncadd.s32 $0xFFFFC000  }
0x80: {  	[spmem:s2] =	stream.indirect.scatter.add.f32 [tilespmem:s14], [sflag:$0x3], $0x80, s26, s13, $0xb8;
	[tilespmem:$0x1E400] =	vst v63  }
0x81: {  	_ =	swait.ge [sflag:s11], $0x4000  }
0x82: {  	[sflag:s11] =	ssyncset.done $0x0  }
0x83: {  	s26 =	sadd.s32 $0x100, s25;
	[sflag:s11] =	ssyncadd.s32 $0xFFFFC000  }
0x84: {  	[tilespmem:s14], [sflag:$0x1] =	stream.indirect.gather [hbm4b:s4+s13], $0x80, s26, s13, $0xb8;
	[tilespmem:$0x1E400] =	vst v63  }
0x85: {  	_ =	swait.ge [sflag:s17], $0x4000  }
.Ltmp1:
0x86: {  	[sflag:s17] =	ssyncset.done $0x0;
	(pc) =	sbr.rel @p0 .LBB2_4-.Ltmp1, $4  }
0x87: {  	s25 =	sadd.s32 $0x1480, s25;
	[sflag:s17] =	ssyncadd.s32 $0xFFFFC000  }
0x88: {  	[spmem:s2] =	stream.indirect.scatter.add.f32 [tilespmem:s15], [sflag:$0x3], $0x80, s25, s13, $0xb8;
	[tilespmem:$0x1E400] =	vst v63  }
0x89: {  	_ =	swait.ge [sflag:s11], $0x4000  }
0x8a: {  	s26 =	smov.u32 s30;
	s25 =	sshra.s32 s29, $0x2;
	[sflag:s11] =	ssyncset.done $0x0  }
0x8b: {  	s26 =	sadd.s32 $0x80, s25;
	[sflag:s11] =	ssyncadd.s32 $0xFFFFC000  }
0x8c: {  	[tilespmem:s15], [sflag:$0x2] =	stream.indirect.gather [hbm4b:s4+s13], $0x80, s26, s13, $0xb8;
	[tilespmem:$0x1E400] =	vst v63  }
0x8d: {  	_ =	swait.ge [sflag:s16], $0x4000  }
0x8e: {  	[sflag:s16] =	ssyncset.done $0x0  }
0x8f: {  	s29 =	sadd.s32 $0x1400, s25;
	[sflag:s16] =	ssyncadd.s32 $0xFFFFC000  }
0x90: {  	[spmem:s2] =	stream.indirect.scatter.add.f32 [tilespmem:s14], [sflag:$0x3], $0x80, s29, s13, $0xb8;
	[tilespmem:$0x1E400] =	vst v63  }
0x91: {  	_ =	swait.ge [sflag:s11], $0x4000  }
0x92: {  	[sflag:s11] =	ssyncset.done $0x0  }
0x93: {  	s30 =	sadd.s32 $0x100, s25;
	[sflag:s11] =	ssyncadd.s32 $0xFFFFC000  }
0x94: {  	[tilespmem:s14], [sflag:$0x1] =	stream.indirect.gather [hbm4b:s4+s13], $0x80, s30, s13, $0xb8;
	[tilespmem:$0x1E400] =	vst v63  }
0x95: {  	_ =	swait.ge [sflag:s17], $0x4000  }
0x96: {  	[sflag:s17] =	ssyncset.done $0x0  }
0x97: {  	s31 =	sadd.s32 $0x1480, s25;
	[sflag:s17] =	ssyncadd.s32 $0xFFFFC000  }
0x98: {  	[spmem:s2] =	stream.indirect.scatter.add.f32 [tilespmem:s15], [sflag:$0x3], $0x80, s31, s13, $0xb8;
	[tilespmem:$0x1E400] =	vst v63  }
0x99: {  	_ =	swait.ge [sflag:s11], $0x4000  }
0x9a: {  	[sflag:s11] =	ssyncset.done $0x0  }
0x9b: {  	[sflag:s11] =	ssyncadd.s32 $0xFFFFC000  }
0x9c: {  	_ =	swait.ge [sflag:s16], $0x4000  }
0x9d: {  	[sflag:s16] =	ssyncset.done $0x0  }
0x9e: {  	[sflag:s16] =	ssyncadd.s32 $0xFFFFC000  }
0x9f: {  	[spmem:s2] =	stream.indirect.scatter.add.f32 [tilespmem:s14], [sflag:$0x3], $0x80, s19, s13, $0xb8;
	[tilespmem:$0x1E400] =	vst v63  }
0xa0: {  	_ =	swait.ge [sflag:s11], $0x4000  }
0xa1: {  	s24 =	sadd.s32 $0x1, s24;
	[sflag:s11] =	ssyncset.done $0x0  }
0xa2: {  	p0 =	sne.s32 s24, s9;
	[sflag:s11] =	ssyncadd.s32 $0xFFFFC000  }
.Ltmp2:
0xa3: {  	[bflag:$0x0] =	sbarrier.arrive $0xFFFF;
	(pc) =	sbr.rel @p0 .LBB2_1-.Ltmp2, $4  }
0xa4: {  	[hbm:s23], [sflag:s6] =	dma.local [spmem:s10], $0x2780  }
0xa5: {  	_ =	swait.ge [sflag:s11], $0x2780  }
0xa6: {  	[sflag:s11] =	ssyncset.done $0x0  }
0xa7: {  	[sflag:s11] =	ssyncadd.s32 $0xFFFFD880  }
0xa8: {  	_ =	sfence.sel $0x180000  }
0xa9: {  	[bflag:$0x0] =	sbarrier.arrive $0xFFFF  }
0xaa: {  	p0 =	sne.s32 s0, $0x0;
	_ =	strace $0x9000004D  }
0xab: {  	s0 =	sadd.s32 @!p0 $0x100000, s1;
	[bflag:$0x2] =	sbarrier.arrive $0xFFFF  }
0xac: {  	[sflag:s0] =	ssyncadd.tile.s32 @!p0 $0x1;
	_ =	shalt  }
.Lfunc_end2:
_tile_overlayer_lowered:
.L_overlay_start_2:
0xad: {  	(tag) =	ssettag $0x2  }
0xae: {  	s0 =	rddreg [dreg:$0x0];
	s2 =	stileid.u32  }
0xaf: {  	s1 =	rddreg [dreg:$0x1];
	p0 =	sne.s32 s2, $0x0  }
0xb0: {  	s3 =	rddreg [dreg:$0x2];
	[bflag:$0x3] =	sbarrier.arrive $0xFFFF;
	s2 =	simm.s32 @!p0 $0x1C03  }
0xb1: {  	[timem:s3], [sflag:s2] =	dma.local @!p0 [hbm:s0], s1  }
0xb2: {  	s0 =	simm.s32 @!p0 $0x3  }
0xb3: {  	_ =	swait.ge @!p0 [sflag:s0], s1  }
0xb4: {  	s1 =	ssub.s32 @!p0 $0x0, s1;
	[sflag:s0] =	ssyncset.done @!p0 $0x0  }
0xb5: {  	[sflag:s0] =	ssyncadd.s32 @!p0 s1  }
0xb6: {  	[bflag:$0x3] =	sbarrier.arrive $0xFFFF  }
0xb7: {  	_ =	shalt  }

// kernel: kernel.8.cloned.1.call-start
scs
__scs_entry_jumppad:
0x0: {  	(pc) =	sbr.rel $0x88, $3  }
0x1: {  	(tag) =	ssettag $0x0;
	lr =	simm.s32 $0x1  }
0x2: {  	[smem:$0x3F9B] =	sst lr;
	_ =	strace $0xD0000000  }
0x3: {  	_ = 	snop  }
0x4: {  	_ = 	snop  }
0x5: {  	_ = 	snop  }
0x6: {  	_ = 	snop  }
0x7: {  	_ = 	snop  }
__scs_overlays_trampoline_lowered:
0x8: {  	[smem:$0x3FAA] =	sst s0  }
0x9: {  	[smem:$0x3FAB] =	sst s1  }
0xa: {  	[smem:$0x3FAC] =	sst s2  }
0xb: {  	[smem:$0x3FAD] =	sst s3  }
0xc: {  	[smem:$0x3FAE] =	sst s4  }
0xd: {  	[smem:$0x3FAF] =	sst s5  }
0xe: {  	[smem:$0x3FB0] =	sst s6  }
0xf: {  	[smem:$0x3FB1] =	sst s7  }
0x10: {  	[smem:$0x3FB2] =	sst s8  }
0x11: {  	[smem:$0x3FB3] =	sst s9;
	s0 =	simm.s32 @!p0 $0x0  }
0x12: {  	s1 =	sld [smem:$0x3F99];
	s0 =	simm.s32 @p0 $0x1  }
0x13: {  	[smem:$0x3FB4] =	sst s0;
	s0 =	simm.s32 @!p1 $0x0  }
0x14: {  	s2 =	sld [smem:$0x3F98];
	s0 =	simm.s32 @p1 $0x1  }
0x15: {  	[smem:$0x3FB5] =	sst s0;
	s0 =	simm.s32 @!p2 $0x0  }
0x16: {  	s3 =	sld [smem:$0x3FDB];
	s0 =	simm.s32 @p2 $0x1  }
0x17: {  	s4 =	simm.s32 $0x1BF5;
	[smem:$0x3FB7] =	sst s0  }
0x18: {  	s0 =	sld [smem:$0x3F9A];
	_ =	swait.ge [sflag:s4], $0x0  }
0x19: {  	s7 =	sld [smem:$0x3F9B]  }
0x1a: {  	s8 =	sadd.s32 $0xFFFFE003, lr  }
0x1b: {  	s9 =	sadd.s32 $0xFFFFFEF7, lr;
	s5 =	simm.s32 $0xFFFFFFFF;
	p2 =	slt.u32 s8, $0xFFFFF086  }
0x1c: {  	p1 =	slt.u32 s9, $0xF7A;
	s5 =	simm.s32 @!p2 $0x0  }
0x1d: {  	s5 =	simm.s32 @p1 $0x1;
	p0 =	seq.s32 s7, s2  }
0x1e: {  	s7 =	smul.u32 @!p0 $0xF7A, s2;
	p2 =	seq.s32 @!p0 s5, $0x0  }
0x1f: {  	s9 =	smul.u32 $0xF7A, s1;
	s8 =	simm.s32 @!p0 $0x1BF5;
	p2 =	por !p2, p0  }
0x20: {  	[sflag:s8] =	ssyncset.s32 @!p0 $0xFFFFF086;
	s6 =	sadd.s32 @!p0 s3, s7;
	s7 =	simm.s32 @!p0 $0x108  }
0x21: {  	s3 =	sadd.s32 s3, s9;
	s6 =	sadd.s32 @!p0 $0x88, s6;
	s7 =	simm.s32 @p2 $0x1082  }
0x22: {  	[simem:s7], [sflag:s8] =	dma.local @!p0 [hbm:s6], $0xF7A  }
0x23: {  	s9 =	sor.u32 $0xD0000000, s2;
	s6 =	simm.s32 $0x108;
	_ =	swait.ge @!p0 [sflag:s8], $0x0  }
0x24: {  	s3 =	sadd.s32 $0x88, s3;
	s6 =	simm.s32 @!p1 $0x1082;
	[sflag:s4] =	ssyncset.s32 $0xFFFFF086  }
0x25: {  	[simem:s6], [sflag:s4] =	dma.local [hbm:s3], $0xF7A  }
0x26: {  	[smem:$0x3F9B] =	sst s1;
	(tag) =	ssettag s2;
	_ =	strace s9  }
0x27: {  	s1 =	sld [smem:$0x3FAB]  }
0x28: {  	s2 =	sld [smem:$0x3FAC]  }
0x29: {  	s4 =	sld [smem:$0x3FAE]  }
0x2a: {  	p0 =	seq.s32 s5, $0x0;
	s5 =	sld [smem:$0x3FAF]  }
0x2b: {  	s6 =	sld [smem:$0x3FB0]  }
0x2c: {  	s7 =	sld [smem:$0x3FB1]  }
0x2d: {  	s3 =	simm.s32 $0x108;
	s8 =	sld [smem:$0x3FB2]  }
0x2e: {  	s3 =	simm.s32 @!p0 $0x1082;
	s9 =	sld [smem:$0x3FB3]  }
0x2f: {  	lr =	sadd.s32 s0, s3;
	s0 =	sld [smem:$0x3FAA]  }
0x30: {  	s3 =	sld [smem:$0x3FAD]  }
0x31: {  	[smem:$0x3FB6] =	sst s10  }
0x32: {  	s10 =	sld [smem:$0x3FB4];
	_ =	sdelay $0x3  }
0x33: {  	p0 =	seq.s32 s10, $0x1;
	s10 =	sld [smem:$0x3FB6];
	_ =	sdelay $0x3  }
0x34: {  	[smem:$0x3FB6] =	sst s10  }
0x35: {  	s10 =	sld [smem:$0x3FB5];
	_ =	sdelay $0x3  }
0x36: {  	p1 =	seq.s32 s10, $0x1;
	s10 =	sld [smem:$0x3FB6];
	_ =	sdelay $0x3  }
0x37: {  	[smem:$0x3FB6] =	sst s10  }
0x38: {  	s10 =	sld [smem:$0x3FB7]  }
0x39: {  	_ = 	snop;
	(pc) =	sbr.ind lr, $3  }
0x3a: {  	_ = 	snop  }
0x3b: {  	_ = 	snop  }
0x3c: {  	p2 =	seq.s32 s10, $0x1;
	s10 =	sld [smem:$0x3FB6]  }
0x3d: {  	_ =	shalt  }
0x3e: {  	_ =	shalt  }
0x3f: {  	_ =	shalt  }
0x40: {  	_ =	shalt  }
0x41: {  	_ =	shalt  }
0x42: {  	_ =	shalt  }
0x43: {  	_ =	shalt  }
0x44: {  	_ =	shalt  }
0x45: {  	_ =	shalt  }
0x46: {  	_ =	shalt  }
0x47: {  	_ =	shalt  }
0x48: {  	_ =	shalt  }
0x49: {  	_ =	shalt  }
0x4a: {  	_ =	shalt  }
0x4b: {  	_ =	shalt  }
0x4c: {  	_ =	shalt  }
0x4d: {  	_ =	shalt  }
0x4e: {  	_ =	shalt  }
0x4f: {  	_ =	shalt  }
0x50: {  	_ =	shalt  }
0x51: {  	_ =	shalt  }
0x52: {  	_ =	shalt  }
0x53: {  	_ =	shalt  }
0x54: {  	_ =	shalt  }
0x55: {  	_ =	shalt  }
0x56: {  	_ =	shalt  }
0x57: {  	_ =	shalt  }
0x58: {  	_ =	shalt  }
0x59: {  	_ =	shalt  }
0x5a: {  	_ =	shalt  }
0x5b: {  	_ =	shalt  }
0x5c: {  	_ =	shalt  }
0x5d: {  	_ =	shalt  }
0x5e: {  	_ =	shalt  }
0x5f: {  	_ =	shalt  }
0x60: {  	_ =	shalt  }
0x61: {  	_ =	shalt  }
0x62: {  	_ =	shalt  }
0x63: {  	_ =	shalt  }
0x64: {  	_ =	shalt  }
0x65: {  	_ =	shalt  }
0x66: {  	_ =	shalt  }
0x67: {  	_ =	shalt  }
0x68: {  	_ =	shalt  }
0x69: {  	_ =	shalt  }
0x6a: {  	_ =	shalt  }
0x6b: {  	_ =	shalt  }
0x6c: {  	_ =	shalt  }
0x6d: {  	_ =	shalt  }
0x6e: {  	_ =	shalt  }
0x6f: {  	_ =	shalt  }
0x70: {  	_ =	shalt  }
0x71: {  	_ =	shalt  }
0x72: {  	_ =	shalt  }
0x73: {  	_ =	shalt  }
0x74: {  	_ =	shalt  }
0x75: {  	_ =	shalt  }
0x76: {  	_ =	shalt  }
0x77: {  	_ =	shalt  }
0x78: {  	_ =	shalt  }
0x79: {  	_ =	shalt  }
0x7a: {  	_ =	shalt  }
0x7b: {  	_ =	shalt  }
0x7c: {  	_ =	shalt  }
0x7d: {  	_ =	shalt  }
0x7e: {  	_ =	shalt  }
0x7f: {  	_ =	shalt  }
0x80: {  	_ =	shalt  }
0x81: {  	_ =	shalt  }
0x82: {  	_ =	shalt  }
0x83: {  	_ =	shalt  }
0x84: {  	_ =	shalt  }
0x85: {  	_ =	shalt  }
0x86: {  	_ =	shalt  }
0x87: {  	_ =	shalt  }
.Lfunc_end0:
.L_simem_size_0:
called_computation_lowered:
.L_overlay_start_0:
0x88: {  	s2 =	sld [smem:$0x3FD9]  }
0x89: {  	s3 =	sld [smem:$0x3FFE];
	_ =	sdelay $0x1  }
0x8a: {  	s1 =	srdreg.scid  }
0x8b: {  	s0 =	sand.u32 $0x1, s1  }
0x8c: {  	s17 =	sshll.u32 s0, $0xA;
	s2 =	sadd.s32 s3, s2  }
0x8d: {  	s2 =	sadd.s32 s2, s17  }
0x8e: {  	[smem:$0x3FC2] =	sst s2  }
0x8f: {  	_ = 	snop  }
0x90: {  	s2 =	sld [smem:$0x3FD0];
	(tm) =	ssettm $0x1  }
0x91: {  	s18 =	sld [smem:$0x3FFB];
	_ =	sdelay $0x3  }
0x92: {  	_ =	strace s18  }
0x93: {  	s3 =	sld [smem:$0x3FFC];
	_ =	sdelay $0x3  }
0x94: {  	_ =	strace s3  }
0x95: {  	s3 =	sld [smem:$0x3FFD];
	_ =	sdelay $0x3  }
0x96: {  	_ =	strace s3  }
0x97: {  	_ =	strace $0x8FFFFFFF  }
0x98: {  	s19 =	sld [smem:$0x3FDB];
	_ =	sdelay $0x1  }
0x99: {  	s4 =	simm.s32 $_scs_section_size  }
0x9a: {  	s5 =	simm.s32 $_size__tile_overlayer_lowered;
	s6 =	simm.s32 $_tile_overlayer_lowered  }
0x9b: {  	s22 =	simm.s32 $0x1BFF;
	s21 =	sshll.u32 s6, $0x1;
	s3 =	sadd.s32 s4, s19  }
0x9c: {  	s7 =	simm.s32 $0x0;
	s20 =	sshll.u32 s5, $0x1;
	s5 =	sadd.s32 s21, s3  }
0x9d: {  	[timem:s7], [sflag:s22] =	dma.local [hbm:s5], s20  }
0x9e: {  	_ =	swait.ge [sflag:s22], s20  }
0x9f: {  	s4 =	ssub.s32 $0x0, s20;
	[sflag:s22] =	ssyncset.done $0x0  }
0xa0: {  	[sflag:s22] =	ssyncadd.s32 s4;
	_ =	sdelay $0x1  }
0xa1: {  	s23 =	simm.s32 $0x1B8B  }
0xa2: {  	_ =	swait.ge [sflag:s23], $0x1  }
0xa3: {  	[sflag:s23] =	ssyncset.done $0x0  }
0xa4: {  	s25 =	simm.s32 $0x1B8E;
	s24 =	sld [smem:$0x3FFE];
	[sflag:s23] =	ssyncadd.s32 $0xFFFFFFFF  }
0xa5: {  	s26 =	simm.s32 $execute0_lowered;
	[smem:$0x3FD2] =	sst s25  }
0xa6: {  	s5 =	sshll.u32 s26, $0x1;
	_ =	strace $0x80000046;
	[dreg:$0x1] =	wrdreg $0xFFFFFFFF  }
0xa7: {  	s28 =	simm.s32 $_size_execute0_lowered;
	s3 =	sadd.s32 s3, s5;
	[dreg:$0x0] =	wrdreg $0x0  }
0xa8: {  	s5 =	sshll.u32 s28, $0x1;
	[dreg:$0x2] =	wrdreg s3  }
0xa9: {  	[dreg:$0x3] =	wrdreg s5  }
0xaa: {  	[dreg:$0x4] =	wrdreg $0xC0  }
0xab: {  	_ =	task [dreg:s7], $0x5FFFF  }
0xac: {  	[dreg:$0x1] =	wrdreg $0xFFFFFFFF  }
0xad: {  	[dreg:$0x0] =	wrdreg $0x60  }
0xae: {  	[dreg:$0x2] =	wrdreg s2  }
0xaf: {  	[dreg:$0x3] =	wrdreg s24  }
0xb0: {  	[dreg:$0x4] =	wrdreg $0x68000  }
0xb1: {  	[dreg:$0x5] =	wrdreg $0x9  }
0xb2: {  	_ =	task.clear_ibuf [dreg:s7], $0x6FFFF;
	_ =	strace $0x90000046  }
0xb3: {  	s29 =	simm.s32 $0x9;
	_ =	strace $0x80000048  }
0xb4: {  	_ =	swait.ge [sflag:s29], $0x1  }
0xb5: {  	[sflag:s29] =	ssyncadd.s32 $0xFFFFFFFF  }
0xb6: {  	_ =	strace $0x90000048  }
0xb7: {  	_ =	sfence  }
0xb8: {  	s30 =	sld [smem:$0x0];
	_ =	sdelay $0x2  }
0xb9: {  	s31 =	sshll.u32 s1, $0xD;
	s1 =	sshrl.u32 s1, $0x2  }
0xba: {  	s3 =	sand.u32 $0x4000, s31;
	s1 =	sadd.s32 s1, s30  }
0xbb: {  	s0 =	sor.u32 s3, s0;
	s1 =	sshll.u32 s1, $0x11  }
0xbc: {  	s0 =	sor.u32 s1, s0  }
0xbd: {  	s0 =	sadd.s32 $0x8F2B, s0  }
0xbe: {  	[sflag:s0] =	ssyncadd.remote.s32 $0x1  }
0xbf: {  	_ =	sfence.sel $0xFFFF  }
0xc0: {  	[dreg:$0x0] =	wrdreg $0xFFFFFFFF;
	(pc) =	sbr.abs _section_cstart, $3  }
0xc1: {  	[dreg:$0x1] =	wrdreg $0xFFFFFFFF  }
0xc2: {  	_ =	task.clear_ibuf [dreg:s7], $0x2FFFF;
	_ =	strace $0x9FFFFFFF  }
0xc3: {  	(tm) =	ssettm $0x7FFFFFFF  }
tec
execute0_lowered:
.L_overlay_start_1:
0x0: {  	(tag) =	ssettag $0x1  }
0x1: {  	s5 =	rddreg [dreg:$0x0]  }
0x2: {  	s6 =	rddreg [dreg:$0x1]  }
0x3: {  	s2 =	rddreg [dreg:$0x2]  }
0x4: {  	s0 =	rddreg [dreg:$0x3]  }
0x5: {  	s1 =	stileid.u32;
	s4 =	srdreg.scid  }
0x6: {  	s3 =	simm.s32 $0x0;
	s13 =	smul.u32 $0x2780, s1;
	s7 =	sand.u32 $0x1, s4  }
0x7: {  	s28 =	sshll.u32 s1, $0x1;
	[smem:$0x7FF] =	sst s3;
	s10 =	smul.u32 $0x4F000, s1  }
0x8: {  	s31 =	sshll.u32 s1, $0x6;
	s8 =	smul.u32 $0x27800, s7;
	s4 =	sor.u32 s7, s28  }
0x9: {  	_ =	strace $0x80000047;
	s7 =	ssub.s32 $0x2, s7;
	s9 =	smul.u32 $0x500, s4  }
0xa: {  	s4 =	sadd.s32 $0x2A400, s6;
	s11 =	sadd.s32 s13, s6;
	s29 =	sshrl.u32 s7, $0x1  }
0xb: {  	s30 =	sshrl.u32 s10, $0x2;
	s10 =	sor.u32 $0x1C01, s31;
	s8 =	sadd.s32 s8, s6  }
0xc: {  	s7 =	ssub.s32 s7, s29;
	s12 =	sadd.s32 s30, s2;
	s6 =	sadd.s32 $0x2C00, s11  }
0xd: {  	s5 =	sadd.s32 s5, s9;
	s14 =	sadd.s32 $0x2AC00, s8;
	s7 =	smax.u32 s7, $0x1  }
0xe: {  	s8 =	simm.s32 $0x1;
	s9 =	simm.s32 $0x2800;
	s11 =	sshrl.u32 s12, $0x3  }
0xf: {  	s12 =	simm.s32 $0x80;
	s13 =	sadd.s32 s13, s14;
	s14 =	simm.s32 $0x0  }
.LBB2_1:
0x10: {  	[tilespmem:s3], [sflag:$0x1] =	stream.linear.gather [hbm4b:s5+s3], $0x2780, $0x38;
	[tilespmem:$0x1A400] =	vst v63  }
0x11: {  	_ =	swait.ge [sflag:s8], $0x2780  }
0x12: {  	[sflag:s8] =	ssyncset.done $0x0  }
0x13: {  	[sflag:s8] =	ssyncadd.s32 $0xFFFFD880  }
0x14: {  	[tilespmem:s9], [sflag:$0x1] =	stream.linear.gather [hbm4b:s4+s3], $0x4000, $0x38;
	[tilespmem:$0x1A400] =	vst v63  }
0x15: {  	_ =	swait.ge [sflag:s8], $0x4000  }
0x16: {  	[sflag:s8] =	ssyncset.done $0x0  }
0x17: {  	[sflag:s8] =	ssyncadd.s32 $0xFFFFC000  }
0x18: {  	[spmem:s11], [sflag:s10] =	dma.local [hbm:s6], $0x2780  }
0x19: {  	_ =	swait.ge [sflag:s8], $0x2780  }
0x1a: {  	[sflag:s8] =	ssyncset.done $0x0  }
0x1b: {  	[sflag:s8] =	ssyncadd.s32 $0xFFFFD880  }
0x1c: {  	s15 =	simm.s32 $0x0;
	[bflag:$0x0] =	sbarrier.arrive $0xFFFF  }
0x1d: {  	[spmem:s2] =	stream.indirect.scatter.add.f32 [tilespmem:s9], [sflag:$0x1], $0x80, s15, s12, $0xb8;
	[tilespmem:$0x1A400] =	vst v63  }
0x1e: {  	_ =	swait.ge [sflag:s8], $0x4000  }
0x1f: {  	s15 =	simm.s32 $0x200;
	[sflag:s8] =	ssyncset.done $0x0  }
.LBB2_2:
0x20: {  	s16 =	sshra.s32 s15, $0x2;
	[sflag:s8] =	ssyncadd.s32 $0xFFFFC000;
	p0 =	sne.s32 s15, $0x9C00  }
0x21: {  	[spmem:s2] =	stream.indirect.scatter.add.f32 [tilespmem:s9], [sflag:$0x1], $0x80, s16, s12, $0xb8;
	[tilespmem:$0x1A400] =	vst v63  }
.Ltmp0:
0x22: {  	_ = 	snop;
	(pc) =	sbr.rel @p0 .LBB2_2-.Ltmp0, $4  }
0x23: {  	_ = 	snop  }
0x24: {  	s15 =	sadd.s32 $0x200, s15  }
0x25: {  	_ =	swait.ge [sflag:s8], $0x4000  }
0x26: {  	[sflag:s8] =	ssyncset.done $0x0  }
0x27: {  	s14 =	sadd.s32 $0x1, s14  }
0x28: {  	[sflag:s8] =	ssyncadd.s32 $0xFFFFC000;
	p0 =	sne.s32 s14, s7  }
.Ltmp1:
0x29: {  	[bflag:$0x0] =	sbarrier.arrive $0xFFFF;
	(pc) =	sbr.rel @p0 .LBB2_1-.Ltmp1, $4  }
0x2a: {  	[hbm:s13], [sflag:s10] =	dma.local [spmem:s11], $0x2780  }
0x2b: {  	_ =	swait.ge [sflag:s8], $0x2780  }
0x2c: {  	[sflag:s8] =	ssyncset.done $0x0  }
0x2d: {  	[sflag:s8] =	ssyncadd.s32 $0xFFFFD880  }
0x2e: {  	_ =	sfence.sel $0x180000  }
0x2f: {  	[bflag:$0x0] =	sbarrier.arrive $0xFFFF  }
0x30: {  	p0 =	sne.s32 s1, $0x0;
	_ =	strace $0x90000047  }
0x31: {  	s0 =	sadd.s32 @!p0 $0x100000, s0;
	[bflag:$0x2] =	sbarrier.arrive $0xFFFF  }
0x32: {  	[sflag:s0] =	ssyncadd.tile.s32 @!p0 $0x1;
	_ =	shalt  }
.Lfunc_end2:
_tile_overlayer_lowered:
.L_overlay_start_2:
0x33: {  	(tag) =	ssettag $0x2  }
0x34: {  	s0 =	rddreg [dreg:$0x0];
	s2 =	stileid.u32  }
0x35: {  	s1 =	rddreg [dreg:$0x1];
	p0 =	sne.s32 s2, $0x0  }
0x36: {  	s3 =	rddreg [dreg:$0x2];
	[bflag:$0x3] =	sbarrier.arrive $0xFFFF;
	s2 =	simm.s32 @!p0 $0x1C01  }
0x37: {  	[timem:s3], [sflag:s2] =	dma.local @!p0 [hbm:s0], s1  }
0x38: {  	s0 =	simm.s32 @!p0 $0x1  }
0x39: {  	_ =	swait.ge @!p0 [sflag:s0], s1  }
0x3a: {  	s1 =	ssub.s32 @!p0 $0x0, s1;
	[sflag:s0] =	ssyncset.done @!p0 $0x0  }
0x3b: {  	[sflag:s0] =	ssyncadd.s32 @!p0 s1  }
0x3c: {  	[bflag:$0x3] =	sbarrier.arrive $0xFFFF  }
0x3d: {  	_ =	shalt  }

</sc_bundles>
